<compile_context>
chip_gen: v7x
topology: tpu7x:2x2x1
jax: 0.10.2.dev20260603
libtpu: 0.0.44.dev20260713+nightly
codegen_flags: <defaults>
</compile_context>

<pallas_src>
import functools

import jax
import jax.numpy as jnp
from jax import lax
from jax.experimental import pallas as pl
from jax.experimental.pallas import tpu as pltpu
from jax.experimental.pallas import tpu_sc as plsc

BATCH = 16384
EMBED_K = 32
L = 16
NW = 32
B_PER_W = BATCH // NW
N_ELEMS = B_PER_W * EMBED_K
RING = 8


def _body(xt_hbm, wt_hbm, ht_hbm, out_hbm,
          xv, ustage, vstage,
          uflat, vflat, out_v, sem):
    wid = lax.axis_index("s") * 2 + lax.axis_index("c")
    base = wid * B_PER_W

    wt3 = wt_hbm.reshape(4, 8, 1000000)
    ht3 = ht_hbm.reshape(4, 8, 1000000)

    pltpu.sync_copy(xt_hbm.at[:, pl.ds(base, B_PER_W)],
                    xv.at[:, pl.ds(0, B_PER_W)])

    lane = lax.iota(jnp.int32, L)
    tk_a, s_a = lane >> 3, lane & 7
    tk_b, s_b = 2 + (lane >> 3), lane & 7
    ka_base = lane * B_PER_W
    kb_base = (lane + L) * B_PER_W

    def fire(j):
        slot = j & (RING - 1)
        u = xv[0, pl.ds(j, L)][0]
        v = xv[1, pl.ds(j, L)][0]
        uoff = pl.multiple_of((u >> 7) * 128, 128)
        voff = pl.multiple_of((v >> 7) * 128, 128)
        pltpu.async_copy(
            wt3.at[:, :, pl.ds(uoff, 128)], ustage.at[slot], sem)
        pltpu.async_copy(
            ht3.at[:, :, pl.ds(voff, 128)], vstage.at[slot], sem)

    def drain(j):
        slot = j & (RING - 1)
        pltpu.make_async_copy(
            wt3.at[:, :, pl.ds(0, 128)], ustage.at[slot], sem).wait()
        pltpu.make_async_copy(
            ht3.at[:, :, pl.ds(0, 128)], vstage.at[slot], sem).wait()

    def extract(j):
        slot16 = jnp.full((L,), j & (RING - 1), jnp.int32)
        ucol = jnp.full((L,), xv[0, pl.ds(j, L)][0] & 127, jnp.int32)
        vcol = jnp.full((L,), xv[1, pl.ds(j, L)][0] & 127, jnp.int32)
        ua = plsc.load_gather(ustage, [slot16, tk_a, s_a, ucol])
        ub = plsc.load_gather(ustage, [slot16, tk_b, s_b, ucol])
        va = plsc.load_gather(vstage, [slot16, tk_a, s_a, vcol])
        vb = plsc.load_gather(vstage, [slot16, tk_b, s_b, vcol])
        plsc.store_scatter(uflat, [ka_base + j], ua)
        plsc.store_scatter(uflat, [kb_base + j], ub)
        plsc.store_scatter(vflat, [ka_base + j], va)
        plsc.store_scatter(vflat, [kb_base + j], vb)

    def prime(j, carry):
        fire(j)
        return carry

    lax.fori_loop(0, RING, prime, 0)

    def ring_step(j, carry):
        drain(j)
        extract(j)
        fire(j + RING)
        return carry

    lax.fori_loop(0, B_PER_W - RING, ring_step, 0)

    def tail(j, carry):
        drain(j)
        extract(j)
        return carry

    lax.fori_loop(B_PER_W - RING, B_PER_W, tail, 0)

    def chunk16(jc, carry):
        ds16 = pl.ds(jc * L, L)
        acc = jnp.zeros((L,), jnp.float32)
        for k in range(EMBED_K):
            dsk = pl.ds(k * B_PER_W + jc * L, L)
            acc = acc + uflat[dsk] * vflat[dsk]
        out_v[ds16] = acc
        return carry

    lax.fori_loop(0, B_PER_W // L, chunk16, 0)

    pltpu.sync_copy(out_v, out_hbm.at[pl.ds(base, B_PER_W)])


@jax.jit
def kernel(x, W, H):
    mesh = plsc.VectorSubcoreMesh(core_axis_name="c", subcore_axis_name="s")
    f = functools.partial(
        pl.kernel,
        mesh=mesh,
        compiler_params=pltpu.CompilerParams(needs_layout_passes=False),
        out_type=jax.ShapeDtypeStruct((BATCH,), jnp.float32),
        scratch_types=[
            pltpu.VMEM((2, B_PER_W + L), jnp.int32),
            pltpu.VMEM((RING, 4, 8, 128), jnp.float32),
            pltpu.VMEM((RING, 4, 8, 128), jnp.float32),
            pltpu.VMEM((N_ELEMS,), jnp.float32),
            pltpu.VMEM((N_ELEMS,), jnp.float32),
            pltpu.VMEM((B_PER_W,), jnp.float32),
            pltpu.SemaphoreType.DMA,
        ],
    )(_body)
    return f(x.T, W.T, H.T)

# --- scband reference (transcript-rebuilt; emitter-appended) ---
"""Pipeline reference for scband-mf-9637906612426 (READ-ONLY COPY).

The authoritative reference and input builder live on the scoring server;
editing this copy changes nothing except your own understanding.
"""

import jax, jax.numpy as jnp
import numpy as np

NUM_USERS = 1000000
NUM_ITEMS = 1000000
EMBED_K = 32
BATCH = 16384

def setup_inputs(seed: int = 0) -> dict:
    key = jax.random.key(seed)
    k1, k2, k3 = jax.random.split(key, 3)
    x = jax.random.randint(k1, (BATCH, 2), 0, NUM_USERS, dtype=jnp.int64) if jax.config.jax_enable_x64 else jax.random.randint(k1, (BATCH, 2), 0, NUM_USERS, dtype=jnp.int32)
    W = jax.random.normal(k2, (NUM_USERS, EMBED_K), dtype=jnp.float32)
    H = jax.random.normal(k3, (NUM_ITEMS, EMBED_K), dtype=jnp.float32)
    return {"x": x, "W": W, "H": H}

def reference(x, W, H):
    user_idx = x[:, 0]
    item_idx = x[:, 1]
    U_emb = jnp.take(W, user_idx, axis=0)
    V_emb = jnp.take(H, item_idx, axis=0)
    out = jnp.sum(U_emb * V_emb, axis=1)
    return out

if __name__ == "__main__":
    import jax
    _d = setup_inputs()
    print(jax.jit(kernel)(*tuple(_d.values())))

</pallas_src>

<mosaic_0001>
#map = affine_map<(d0, d1) -> (0, 0)>
#map1 = affine_map<(d0, d1) -> (0)>
module attributes {stable_mosaic.version = 14 : i64} {
  func.func @_body(%arg0: i32, %arg1: i32, %arg2: memref<2x16384xi32, #tpu.memory_space<hbm>>, %arg3: memref<32x1000000xf32, #tpu.memory_space<hbm>>, %arg4: memref<32x1000000xf32, #tpu.memory_space<hbm>>, %arg5: memref<16384xf32, #tpu.memory_space<hbm>>, %arg6: memref<2x528xi32, #tpu.memory_space<vmem>>, %arg7: memref<8x4x8x128xf32, #tpu.memory_space<vmem>>, %arg8: memref<8x4x8x128xf32, #tpu.memory_space<vmem>>, %arg9: memref<16384xf32, #tpu.memory_space<vmem>>, %arg10: memref<16384xf32, #tpu.memory_space<vmem>>, %arg11: memref<512xf32, #tpu.memory_space<vmem>>, %arg12: memref<!tpu.dma_semaphore, #tpu.memory_space<semaphore_mem>>) attributes {dimension_semantics = [#tpu.dimension_semantics<core_parallel>, #tpu.dimension_semantics<subcore_parallel>], iteration_bounds = array<i64: 2, 16>, scalar_prefetch = 0 : i64, scratch_operands = 7 : i64, tpu.core_type = #tpu.core_type<sc_vector_subcore>, window_params = [{transform_indices = #map}, {transform_indices = #map}, {transform_indices = #map}, {transform_indices = #map1}]} {
    %mul3A = arith.constant 2 : i32
    %mul3A_0 = arith.muli %arg1, %mul3A : i32
    %add3A = arith.addi %mul3A_0, %arg0 : i32
    %mul3A_1 = arith.constant 512 : i32
    %mul3A_2 = arith.muli %add3A, %mul3A_1 : i32
    "tpu.region"() ({
      %run_scoped3A = tpu.sem_alloc : memref<!tpu.dma_semaphore, #tpu.memory_space<semaphore_mem>>
      %dma_start3A = arith.constant 0 : i32
      %dma_start3A_48 = arith.constant 0 : i32
      %dma_start3A_49 = tpu.memref_slice %arg6[%dma_start3A, %dma_start3A_48] : memref<2x528xi32, #tpu.memory_space<vmem>> -> memref<2x512xi32, #tpu.memory_space<vmem>>
      %dma_start3A_50 = arith.constant 0 : i32
      %dma_start3A_51 = tpu.memref_slice %arg2[%dma_start3A_50, %mul3A_2] : memref<2x16384xi32, #tpu.memory_space<hbm>> -> memref<2x512xi32, #tpu.memory_space<hbm>>
      %dma_start3A_52 = arith.constant 0 : i32
      %dma_start3A_53 = arith.constant 0 : i32
      %dma_start3A_54 = tpu.memref_slice %arg6[%dma_start3A_52, %dma_start3A_53] : memref<2x528xi32, #tpu.memory_space<vmem>> -> memref<2x512xi32, #tpu.memory_space<vmem>>
      %dma_start3A_55 = arith.constant 0 : i32
      %dma_start3A_56 = tpu.memref_slice %arg2[%dma_start3A_55, %mul3A_2] : memref<2x16384xi32, #tpu.memory_space<hbm>> -> memref<2x512xi32, #tpu.memory_space<hbm>>
      tpu.enqueue_dma source(%dma_start3A_56 : memref<2x512xi32, #tpu.memory_space<hbm>>) target(%dma_start3A_54 : memref<2x512xi32, #tpu.memory_space<vmem>>) target_semaphore(%run_scoped3A : memref<!tpu.dma_semaphore, #tpu.memory_space<semaphore_mem>>)
      %dma_wait3A = arith.constant 0 : i32
      %dma_wait3A_57 = arith.constant 0 : i32
      %dma_wait3A_58 = tpu.memref_slice %arg6[%dma_wait3A, %dma_wait3A_57] : memref<2x528xi32, #tpu.memory_space<vmem>> -> memref<2x512xi32, #tpu.memory_space<vmem>>
      %dma_wait3A_59 = arith.constant 0 : i32
      %dma_wait3A_60 = tpu.memref_slice %arg2[%dma_wait3A_59, %mul3A_2] : memref<2x16384xi32, #tpu.memory_space<hbm>> -> memref<2x512xi32, #tpu.memory_space<hbm>>
      %dma_wait3A_61 = arith.constant 0 : i32
      %dma_wait3A_62 = arith.constant 0 : i32
      %dma_wait3A_63 = tpu.memref_slice %arg6[%dma_wait3A_61, %dma_wait3A_62] : memref<2x528xi32, #tpu.memory_space<vmem>> -> memref<2x512xi32, #tpu.memory_space<vmem>>
      %dma_wait3A_64 = arith.constant 0 : i32
      %dma_wait3A_65 = tpu.memref_slice %arg2[%dma_wait3A_64, %mul3A_2] : memref<2x16384xi32, #tpu.memory_space<hbm>> -> memref<2x512xi32, #tpu.memory_space<hbm>>
      tpu.wait_dma2 semaphore(%run_scoped3A : memref<!tpu.dma_semaphore, #tpu.memory_space<semaphore_mem>>) src(%dma_wait3A_65 : memref<2x512xi32, #tpu.memory_space<hbm>>) dst(%dma_wait3A_63 : memref<2x512xi32, #tpu.memory_space<vmem>>)
      tpu.yield
    }) : () -> ()
    %iota3A = tpu.iota {dimensions = array<i32: 0>} : vector<16xi32>
    %shift_right_arithmetic3A = arith.constant 3 : i32
    %shift_right_arithmetic3A_3 = vector.broadcast %shift_right_arithmetic3A : i32 to vector<16xi32>
    %shift_right_arithmetic3A_4 = arith.shrsi %iota3A, %shift_right_arithmetic3A_3 : vector<16xi32>
    %and3A = arith.constant 7 : i32
    %and3A_5 = vector.broadcast %and3A : i32 to vector<16xi32>
    %and3A_6 = arith.andi %iota3A, %and3A_5 : vector<16xi32>
    %shift_right_arithmetic3A_7 = arith.constant 3 : i32
    %shift_right_arithmetic3A_8 = vector.broadcast %shift_right_arithmetic3A_7 : i32 to vector<16xi32>
    %shift_right_arithmetic3A_9 = arith.shrsi %iota3A, %shift_right_arithmetic3A_8 : vector<16xi32>
    %add3A_10 = arith.constant 2 : i32
    %add3A_11 = vector.broadcast %add3A_10 : i32 to vector<16xi32>
    %add3A_12 = arith.addi %add3A_11, %shift_right_arithmetic3A_9 : vector<16xi32>
    %and3A_13 = arith.constant 7 : i32
    %and3A_14 = vector.broadcast %and3A_13 : i32 to vector<16xi32>
    %and3A_15 = arith.andi %iota3A, %and3A_14 : vector<16xi32>
    %mul3A_16 = arith.constant 512 : i32
    %mul3A_17 = vector.broadcast %mul3A_16 : i32 to vector<16xi32>
    %mul3A_18 = arith.muli %iota3A, %mul3A_17 : vector<16xi32>
    %add3A_19 = arith.constant 16 : i32
    %add3A_20 = vector.broadcast %add3A_19 : i32 to vector<16xi32>
    %add3A_21 = arith.addi %iota3A, %add3A_20 : vector<16xi32>
    %mul3A_22 = arith.constant 512 : i32
    %mul3A_23 = vector.broadcast %mul3A_22 : i32 to vector<16xi32>
    %mul3A_24 = arith.muli %add3A_21, %mul3A_23 : vector<16xi32>
    %scan3A = arith.constant 0 : i32
    %scan3A_25 = arith.constant 0 : i32
    %scan3A_26 = arith.constant 8 : i32
    %scan3A_27 = arith.addi %scan3A_25, %scan3A_26 : i32
    %scan3A_28 = arith.constant 1 : i32
    scf.for %scan3A_48 = %scan3A_25 to %scan3A_27 step %scan3A_28  : i32 {
      %and3A_49 = arith.constant 7 : i32
      %and3A_50 = arith.andi %scan3A_48, %and3A_49 : i32
      %get3A = arith.constant 0 : i32
      %get3A_51 = arith.index_cast %get3A : i32 to index
      %get3A_52 = arith.index_cast %scan3A_48 : i32 to index
      %get3A_53 = tpu.vector_load %arg6[%get3A_51, %get3A_52] {strides = array<i32>} : memref<2x528xi32, #tpu.memory_space<vmem>>, vector<16xi32>,
      %slice3A = vector.extract_strided_slice %get3A_53 {offsets = [0], sizes = [1], strides = [1]} : vector<16xi32> to vector<1xi32>
      %squeeze3A = vector.extract %slice3A[0] : i32 from vector<1xi32>
      %get3A_54 = arith.constant 1 : i32
      %get3A_55 = arith.index_cast %get3A_54 : i32 to index
      %get3A_56 = arith.index_cast %scan3A_48 : i32 to index
      %get3A_57 = tpu.vector_load %arg6[%get3A_55, %get3A_56] {strides = array<i32>} : memref<2x528xi32, #tpu.memory_space<vmem>>, vector<16xi32>,
      %slice3A_58 = vector.extract_strided_slice %get3A_57 {offsets = [0], sizes = [1], strides = [1]} : vector<16xi32> to vector<1xi32>
      %squeeze3A_59 = vector.extract %slice3A_58[0] : i32 from vector<1xi32>
      %shift_right_arithmetic3A_60 = arith.constant 7 : i32
      %shift_right_arithmetic3A_61 = arith.shrsi %squeeze3A, %shift_right_arithmetic3A_60 : i32
      %mul3A_62 = arith.constant 128 : i32
      %mul3A_63 = arith.muli %shift_right_arithmetic3A_61, %mul3A_62 : i32
      %multiple_of3A = tpu.assume_multiple %mul3A_63, 128 : i32
      %shift_right_arithmetic3A_64 = arith.constant 7 : i32
      %shift_right_arithmetic3A_65 = arith.shrsi %squeeze3A_59, %shift_right_arithmetic3A_64 : i32
      %mul3A_66 = arith.constant 128 : i32
      %mul3A_67 = arith.muli %shift_right_arithmetic3A_65, %mul3A_66 : i32
      %multiple_of3A_68 = tpu.assume_multiple %mul3A_67, 128 : i32
      %dma_start3A = arith.constant 0 : i32
      %dma_start3A_69 = arith.constant 0 : i32
      %dma_start3A_70 = arith.constant 0 : i32
      %dma_start3A_71 = tpu.memref_slice %arg7[%and3A_50, %dma_start3A, %dma_start3A_69, %dma_start3A_70] : memref<8x4x8x128xf32, #tpu.memory_space<vmem>> -> memref<1x4x8x128xf32, #tpu.memory_space<vmem>>
      %dma_start3A_72 = tpu.memref_squeeze %dma_start3A_71 : memref<1x4x8x128xf32, #tpu.memory_space<vmem>> -> memref<4x8x128xf32, #tpu.memory_space<vmem>>
      %dma_start3A_73 = tpu.memref_reshape %arg3 : memref<32x1000000xf32, #tpu.memory_space<hbm>> -> memref<4x8x1000000xf32, #tpu.memory_space<hbm>>
      %dma_start3A_74 = arith.constant 0 : i32
      %dma_start3A_75 = arith.constant 0 : i32
      %dma_start3A_76 = tpu.memref_slice %dma_start3A_73[%dma_start3A_74, %dma_start3A_75, %multiple_of3A] : memref<4x8x1000000xf32, #tpu.memory_space<hbm>> -> memref<4x8x128xf32, #tpu.memory_space<hbm>>
      %dma_start3A_77 = arith.constant 0 : i32
      %dma_start3A_78 = arith.constant 0 : i32
      %dma_start3A_79 = arith.constant 0 : i32
      %dma_start3A_80 = tpu.memref_slice %arg7[%and3A_50, %dma_start3A_77, %dma_start3A_78, %dma_start3A_79] : memref<8x4x8x128xf32, #tpu.memory_space<vmem>> -> memref<1x4x8x128xf32, #tpu.memory_space<vmem>>
      %dma_start3A_81 = tpu.memref_squeeze %dma_start3A_80 : memref<1x4x8x128xf32, #tpu.memory_space<vmem>> -> memref<4x8x128xf32, #tpu.memory_space<vmem>>
      %dma_start3A_82 = tpu.memref_reshape %arg3 : memref<32x1000000xf32, #tpu.memory_space<hbm>> -> memref<4x8x1000000xf32, #tpu.memory_space<hbm>>
      %dma_start3A_83 = arith.constant 0 : i32
      %dma_start3A_84 = arith.constant 0 : i32
      %dma_start3A_85 = tpu.memref_slice %dma_start3A_82[%dma_start3A_83, %dma_start3A_84, %multiple_of3A] : memref<4x8x1000000xf32, #tpu.memory_space<hbm>> -> memref<4x8x128xf32, #tpu.memory_space<hbm>>
      tpu.enqueue_dma source(%dma_start3A_85 : memref<4x8x128xf32, #tpu.memory_space<hbm>>) target(%dma_start3A_81 : memref<4x8x128xf32, #tpu.memory_space<vmem>>) target_semaphore(%arg12 : memref<!tpu.dma_semaphore, #tpu.memory_space<semaphore_mem>>)
      %dma_start3A_86 = arith.constant 0 : i32
      %dma_start3A_87 = arith.constant 0 : i32
      %dma_start3A_88 = arith.constant 0 : i32
      %dma_start3A_89 = tpu.memref_slice %arg8[%and3A_50, %dma_start3A_86, %dma_start3A_87, %dma_start3A_88] : memref<8x4x8x128xf32, #tpu.memory_space<vmem>> -> memref<1x4x8x128xf32, #tpu.memory_space<vmem>>
      %dma_start3A_90 = tpu.memref_squeeze %dma_start3A_89 : memref<1x4x8x128xf32, #tpu.memory_space<vmem>> -> memref<4x8x128xf32, #tpu.memory_space<vmem>>
      %dma_start3A_91 = tpu.memref_reshape %arg4 : memref<32x1000000xf32, #tpu.memory_space<hbm>> -> memref<4x8x1000000xf32, #tpu.memory_space<hbm>>
      %dma_start3A_92 = arith.constant 0 : i32
      %dma_start3A_93 = arith.constant 0 : i32
      %dma_start3A_94 = tpu.memref_slice %dma_start3A_91[%dma_start3A_92, %dma_start3A_93, %multiple_of3A_68] : memref<4x8x1000000xf32, #tpu.memory_space<hbm>> -> memref<4x8x128xf32, #tpu.memory_space<hbm>>
      %dma_start3A_95 = arith.constant 0 : i32
      %dma_start3A_96 = arith.constant 0 : i32
      %dma_start3A_97 = arith.constant 0 : i32
      %dma_start3A_98 = tpu.memref_slice %arg8[%and3A_50, %dma_start3A_95, %dma_start3A_96, %dma_start3A_97] : memref<8x4x8x128xf32, #tpu.memory_space<vmem>> -> memref<1x4x8x128xf32, #tpu.memory_space<vmem>>
      %dma_start3A_99 = tpu.memref_squeeze %dma_start3A_98 : memref<1x4x8x128xf32, #tpu.memory_space<vmem>> -> memref<4x8x128xf32, #tpu.memory_space<vmem>>
      %dma_start3A_100 = tpu.memref_reshape %arg4 : memref<32x1000000xf32, #tpu.memory_space<hbm>> -> memref<4x8x1000000xf32, #tpu.memory_space<hbm>>
      %dma_start3A_101 = arith.constant 0 : i32
      %dma_start3A_102 = arith.constant 0 : i32
      %dma_start3A_103 = tpu.memref_slice %dma_start3A_100[%dma_start3A_101, %dma_start3A_102, %multiple_of3A_68] : memref<4x8x1000000xf32, #tpu.memory_space<hbm>> -> memref<4x8x128xf32, #tpu.memory_space<hbm>>
      tpu.enqueue_dma source(%dma_start3A_103 : memref<4x8x128xf32, #tpu.memory_space<hbm>>) target(%dma_start3A_99 : memref<4x8x128xf32, #tpu.memory_space<vmem>>) target_semaphore(%arg12 : memref<!tpu.dma_semaphore, #tpu.memory_space<semaphore_mem>>)
    }
    %scan3A_29 = arith.constant 8 : i32
    %scan3A_30 = arith.constant 0 : i32
    %scan3A_31 = arith.constant 0 : i32
    %scan3A_32 = arith.constant 504 : i32
    %scan3A_33 = arith.addi %scan3A_31, %scan3A_32 : i32
    %scan3A_34 = arith.constant 1 : i32
    scf.for %scan3A_48 = %scan3A_31 to %scan3A_33 step %scan3A_34  : i32 {
      %and3A_49 = arith.constant 7 : i32
      %and3A_50 = arith.andi %scan3A_48, %and3A_49 : i32
      %dma_wait3A = arith.constant 0 : i32
      %dma_wait3A_51 = arith.constant 0 : i32
      %dma_wait3A_52 = arith.constant 0 : i32
      %dma_wait3A_53 = tpu.memref_slice %arg7[%and3A_50, %dma_wait3A, %dma_wait3A_51, %dma_wait3A_52] : memref<8x4x8x128xf32, #tpu.memory_space<vmem>> -> memref<1x4x8x128xf32, #tpu.memory_space<vmem>>
      %dma_wait3A_54 = tpu.memref_squeeze %dma_wait3A_53 : memref<1x4x8x128xf32, #tpu.memory_space<vmem>> -> memref<4x8x128xf32, #tpu.memory_space<vmem>>
      %dma_wait3A_55 = tpu.memref_reshape %arg3 : memref<32x1000000xf32, #tpu.memory_space<hbm>> -> memref<4x8x1000000xf32, #tpu.memory_space<hbm>>
      %dma_wait3A_56 = arith.constant 0 : i32
      %dma_wait3A_57 = arith.constant 0 : i32
      %dma_wait3A_58 = arith.constant 0 : i32
      %dma_wait3A_59 = tpu.memref_slice %dma_wait3A_55[%dma_wait3A_56, %dma_wait3A_57, %dma_wait3A_58] : memref<4x8x1000000xf32, #tpu.memory_space<hbm>> -> memref<4x8x128xf32, #tpu.memory_space<hbm>>
      %dma_wait3A_60 = arith.constant 0 : i32
      %dma_wait3A_61 = arith.constant 0 : i32
      %dma_wait3A_62 = arith.constant 0 : i32
      %dma_wait3A_63 = tpu.memref_slice %arg7[%and3A_50, %dma_wait3A_60, %dma_wait3A_61, %dma_wait3A_62] : memref<8x4x8x128xf32, #tpu.memory_space<vmem>> -> memref<1x4x8x128xf32, #tpu.memory_space<vmem>>
      %dma_wait3A_64 = tpu.memref_squeeze %dma_wait3A_63 : memref<1x4x8x128xf32, #tpu.memory_space<vmem>> -> memref<4x8x128xf32, #tpu.memory_space<vmem>>
      %dma_wait3A_65 = tpu.memref_reshape %arg3 : memref<32x1000000xf32, #tpu.memory_space<hbm>> -> memref<4x8x1000000xf32, #tpu.memory_space<hbm>>
      %dma_wait3A_66 = arith.constant 0 : i32
      %dma_wait3A_67 = arith.constant 0 : i32
      %dma_wait3A_68 = arith.constant 0 : i32
      %dma_wait3A_69 = tpu.memref_slice %dma_wait3A_65[%dma_wait3A_66, %dma_wait3A_67, %dma_wait3A_68] : memref<4x8x1000000xf32, #tpu.memory_space<hbm>> -> memref<4x8x128xf32, #tpu.memory_space<hbm>>
      tpu.wait_dma2 semaphore(%arg12 : memref<!tpu.dma_semaphore, #tpu.memory_space<semaphore_mem>>) src(%dma_wait3A_69 : memref<4x8x128xf32, #tpu.memory_space<hbm>>) dst(%dma_wait3A_64 : memref<4x8x128xf32, #tpu.memory_space<vmem>>)
      %dma_wait3A_70 = arith.constant 0 : i32
      %dma_wait3A_71 = arith.constant 0 : i32
      %dma_wait3A_72 = arith.constant 0 : i32
      %dma_wait3A_73 = tpu.memref_slice %arg8[%and3A_50, %dma_wait3A_70, %dma_wait3A_71, %dma_wait3A_72] : memref<8x4x8x128xf32, #tpu.memory_space<vmem>> -> memref<1x4x8x128xf32, #tpu.memory_space<vmem>>
      %dma_wait3A_74 = tpu.memref_squeeze %dma_wait3A_73 : memref<1x4x8x128xf32, #tpu.memory_space<vmem>> -> memref<4x8x128xf32, #tpu.memory_space<vmem>>
      %dma_wait3A_75 = tpu.memref_reshape %arg4 : memref<32x1000000xf32, #tpu.memory_space<hbm>> -> memref<4x8x1000000xf32, #tpu.memory_space<hbm>>
      %dma_wait3A_76 = arith.constant 0 : i32
      %dma_wait3A_77 = arith.constant 0 : i32
      %dma_wait3A_78 = arith.constant 0 : i32
      %dma_wait3A_79 = tpu.memref_slice %dma_wait3A_75[%dma_wait3A_76, %dma_wait3A_77, %dma_wait3A_78] : memref<4x8x1000000xf32, #tpu.memory_space<hbm>> -> memref<4x8x128xf32, #tpu.memory_space<hbm>>
      %dma_wait3A_80 = arith.constant 0 : i32
      %dma_wait3A_81 = arith.constant 0 : i32
      %dma_wait3A_82 = arith.constant 0 : i32
      %dma_wait3A_83 = tpu.memref_slice %arg8[%and3A_50, %dma_wait3A_80, %dma_wait3A_81, %dma_wait3A_82] : memref<8x4x8x128xf32, #tpu.memory_space<vmem>> -> memref<1x4x8x128xf32, #tpu.memory_space<vmem>>
      %dma_wait3A_84 = tpu.memref_squeeze %dma_wait3A_83 : memref<1x4x8x128xf32, #tpu.memory_space<vmem>> -> memref<4x8x128xf32, #tpu.memory_space<vmem>>
      %dma_wait3A_85 = tpu.memref_reshape %arg4 : memref<32x1000000xf32, #tpu.memory_space<hbm>> -> memref<4x8x1000000xf32, #tpu.memory_space<hbm>>
      %dma_wait3A_86 = arith.constant 0 : i32
      %dma_wait3A_87 = arith.constant 0 : i32
      %dma_wait3A_88 = arith.constant 0 : i32
      %dma_wait3A_89 = tpu.memref_slice %dma_wait3A_85[%dma_wait3A_86, %dma_wait3A_87, %dma_wait3A_88] : memref<4x8x1000000xf32, #tpu.memory_space<hbm>> -> memref<4x8x128xf32, #tpu.memory_space<hbm>>
      tpu.wait_dma2 semaphore(%arg12 : memref<!tpu.dma_semaphore, #tpu.memory_space<semaphore_mem>>) src(%dma_wait3A_89 : memref<4x8x128xf32, #tpu.memory_space<hbm>>) dst(%dma_wait3A_84 : memref<4x8x128xf32, #tpu.memory_space<vmem>>)
      %and3A_90 = arith.constant 7 : i32
      %and3A_91 = arith.andi %scan3A_48, %and3A_90 : i32
      %broadcast_in_dim3A = vector.broadcast %and3A_91 : i32 to vector<16xi32>
      %get3A = arith.constant 0 : i32
      %get3A_92 = arith.index_cast %get3A : i32 to index
      %get3A_93 = arith.index_cast %scan3A_48 : i32 to index
      %get3A_94 = tpu.vector_load %arg6[%get3A_92, %get3A_93] {strides = array<i32>} : memref<2x528xi32, #tpu.memory_space<vmem>>, vector<16xi32>,
      %slice3A = vector.extract_strided_slice %get3A_94 {offsets = [0], sizes = [1], strides = [1]} : vector<16xi32> to vector<1xi32>
      %squeeze3A = vector.extract %slice3A[0] : i32 from vector<1xi32>
      %and3A_95 = arith.constant 127 : i32
      %and3A_96 = arith.andi %squeeze3A, %and3A_95 : i32
      %broadcast_in_dim3A_97 = vector.broadcast %and3A_96 : i32 to vector<16xi32>
      %get3A_98 = arith.constant 1 : i32
      %get3A_99 = arith.index_cast %get3A_98 : i32 to index
      %get3A_100 = arith.index_cast %scan3A_48 : i32 to index
      %get3A_101 = tpu.vector_load %arg6[%get3A_99, %get3A_100] {strides = array<i32>} : memref<2x528xi32, #tpu.memory_space<vmem>>, vector<16xi32>,
      %slice3A_102 = vector.extract_strided_slice %get3A_101 {offsets = [0], sizes = [1], strides = [1]} : vector<16xi32> to vector<1xi32>
      %squeeze3A_103 = vector.extract %slice3A_102[0] : i32 from vector<1xi32>
      %and3A_104 = arith.constant 127 : i32
      %and3A_105 = arith.andi %squeeze3A_103, %and3A_104 : i32
      %broadcast_in_dim3A_106 = vector.broadcast %and3A_105 : i32 to vector<16xi32>
      %gather3A = tpu.vector_load_idx %arg7[%broadcast_in_dim3A, %shift_right_arithmetic3A_4, %and3A_6, %broadcast_in_dim3A_97] : memref<8x4x8x128xf32, #tpu.memory_space<vmem>>[vector<16xi32>, vector<16xi32>, vector<16xi32>, vector<16xi32>], vector<16xf32>,
      %gather3A_107 = tpu.vector_load_idx %arg7[%broadcast_in_dim3A, %add3A_12, %and3A_15, %broadcast_in_dim3A_97] : memref<8x4x8x128xf32, #tpu.memory_space<vmem>>[vector<16xi32>, vector<16xi32>, vector<16xi32>, vector<16xi32>], vector<16xf32>,
      %gather3A_108 = tpu.vector_load_idx %arg8[%broadcast_in_dim3A, %shift_right_arithmetic3A_4, %and3A_6, %broadcast_in_dim3A_106] : memref<8x4x8x128xf32, #tpu.memory_space<vmem>>[vector<16xi32>, vector<16xi32>, vector<16xi32>, vector<16xi32>], vector<16xf32>,
      %gather3A_109 = tpu.vector_load_idx %arg8[%broadcast_in_dim3A, %add3A_12, %and3A_15, %broadcast_in_dim3A_106] : memref<8x4x8x128xf32, #tpu.memory_space<vmem>>[vector<16xi32>, vector<16xi32>, vector<16xi32>, vector<16xi32>], vector<16xf32>,
      %add3A_110 = vector.broadcast %scan3A_48 : i32 to vector<16xi32>
      %add3A_111 = arith.addi %mul3A_18, %add3A_110 : vector<16xi32>
      tpu.vector_store_idx %arg9[%add3A_111], %gather3A : memref<16384xf32, #tpu.memory_space<vmem>>[vector<16xi32>], vector<16xf32>,
      %add3A_112 = vector.broadcast %scan3A_48 : i32 to vector<16xi32>
      %add3A_113 = arith.addi %mul3A_24, %add3A_112 : vector<16xi32>
      tpu.vector_store_idx %arg9[%add3A_113], %gather3A_107 : memref<16384xf32, #tpu.memory_space<vmem>>[vector<16xi32>], vector<16xf32>,
      %add3A_114 = vector.broadcast %scan3A_48 : i32 to vector<16xi32>
      %add3A_115 = arith.addi %mul3A_18, %add3A_114 : vector<16xi32>
      tpu.vector_store_idx %arg10[%add3A_115], %gather3A_108 : memref<16384xf32, #tpu.memory_space<vmem>>[vector<16xi32>], vector<16xf32>,
      %add3A_116 = vector.broadcast %scan3A_48 : i32 to vector<16xi32>
      %add3A_117 = arith.addi %mul3A_24, %add3A_116 : vector<16xi32>
      tpu.vector_store_idx %arg10[%add3A_117], %gather3A_109 : memref<16384xf32, #tpu.memory_space<vmem>>[vector<16xi32>], vector<16xf32>,
      %add3A_118 = arith.constant 8 : i32
      %add3A_119 = arith.addi %scan3A_48, %add3A_118 : i32
      %and3A_120 = arith.constant 7 : i32
      %and3A_121 = arith.andi %add3A_119, %and3A_120 : i32
      %get3A_122 = arith.constant 0 : i32
      %get3A_123 = arith.index_cast %get3A_122 : i32 to index
      %get3A_124 = arith.index_cast %add3A_119 : i32 to index
      %get3A_125 = tpu.vector_load %arg6[%get3A_123, %get3A_124] {strides = array<i32>} : memref<2x528xi32, #tpu.memory_space<vmem>>, vector<16xi32>,
      %slice3A_126 = vector.extract_strided_slice %get3A_125 {offsets = [0], sizes = [1], strides = [1]} : vector<16xi32> to vector<1xi32>
      %squeeze3A_127 = vector.extract %slice3A_126[0] : i32 from vector<1xi32>
      %get3A_128 = arith.constant 1 : i32
      %get3A_129 = arith.index_cast %get3A_128 : i32 to index
      %get3A_130 = arith.index_cast %add3A_119 : i32 to index
      %get3A_131 = tpu.vector_load %arg6[%get3A_129, %get3A_130] {strides = array<i32>} : memref<2x528xi32, #tpu.memory_space<vmem>>, vector<16xi32>,
      %slice3A_132 = vector.extract_strided_slice %get3A_131 {offsets = [0], sizes = [1], strides = [1]} : vector<16xi32> to vector<1xi32>
      %squeeze3A_133 = vector.extract %slice3A_132[0] : i32 from vector<1xi32>
      %shift_right_arithmetic3A_134 = arith.constant 7 : i32
      %shift_right_arithmetic3A_135 = arith.shrsi %squeeze3A_127, %shift_right_arithmetic3A_134 : i32
      %mul3A_136 = arith.constant 128 : i32
      %mul3A_137 = arith.muli %shift_right_arithmetic3A_135, %mul3A_136 : i32
      %multiple_of3A = tpu.assume_multiple %mul3A_137, 128 : i32
      %shift_right_arithmetic3A_138 = arith.constant 7 : i32
      %shift_right_arithmetic3A_139 = arith.shrsi %squeeze3A_133, %shift_right_arithmetic3A_138 : i32
      %mul3A_140 = arith.constant 128 : i32
      %mul3A_141 = arith.muli %shift_right_arithmetic3A_139, %mul3A_140 : i32
      %multiple_of3A_142 = tpu.assume_multiple %mul3A_141, 128 : i32
      %dma_start3A = arith.constant 0 : i32
      %dma_start3A_143 = arith.constant 0 : i32
      %dma_start3A_144 = arith.constant 0 : i32
      %dma_start3A_145 = tpu.memref_slice %arg7[%and3A_121, %dma_start3A, %dma_start3A_143, %dma_start3A_144] : memref<8x4x8x128xf32, #tpu.memory_space<vmem>> -> memref<1x4x8x128xf32, #tpu.memory_space<vmem>>
      %dma_start3A_146 = tpu.memref_squeeze %dma_start3A_145 : memref<1x4x8x128xf32, #tpu.memory_space<vmem>> -> memref<4x8x128xf32, #tpu.memory_space<vmem>>
      %dma_start3A_147 = tpu.memref_reshape %arg3 : memref<32x1000000xf32, #tpu.memory_space<hbm>> -> memref<4x8x1000000xf32, #tpu.memory_space<hbm>>
      %dma_start3A_148 = arith.constant 0 : i32
      %dma_start3A_149 = arith.constant 0 : i32
      %dma_start3A_150 = tpu.memref_slice %dma_start3A_147[%dma_start3A_148, %dma_start3A_149, %multiple_of3A] : memref<4x8x1000000xf32, #tpu.memory_space<hbm>> -> memref<4x8x128xf32, #tpu.memory_space<hbm>>
      %dma_start3A_151 = arith.constant 0 : i32
      %dma_start3A_152 = arith.constant 0 : i32
      %dma_start3A_153 = arith.constant 0 : i32
      %dma_start3A_154 = tpu.memref_slice %arg7[%and3A_121, %dma_start3A_151, %dma_start3A_152, %dma_start3A_153] : memref<8x4x8x128xf32, #tpu.memory_space<vmem>> -> memref<1x4x8x128xf32, #tpu.memory_space<vmem>>
      %dma_start3A_155 = tpu.memref_squeeze %dma_start3A_154 : memref<1x4x8x128xf32, #tpu.memory_space<vmem>> -> memref<4x8x128xf32, #tpu.memory_space<vmem>>
      %dma_start3A_156 = tpu.memref_reshape %arg3 : memref<32x1000000xf32, #tpu.memory_space<hbm>> -> memref<4x8x1000000xf32, #tpu.memory_space<hbm>>
      %dma_start3A_157 = arith.constant 0 : i32
      %dma_start3A_158 = arith.constant 0 : i32
      %dma_start3A_159 = tpu.memref_slice %dma_start3A_156[%dma_start3A_157, %dma_start3A_158, %multiple_of3A] : memref<4x8x1000000xf32, #tpu.memory_space<hbm>> -> memref<4x8x128xf32, #tpu.memory_space<hbm>>
      tpu.enqueue_dma source(%dma_start3A_159 : memref<4x8x128xf32, #tpu.memory_space<hbm>>) target(%dma_start3A_155 : memref<4x8x128xf32, #tpu.memory_space<vmem>>) target_semaphore(%arg12 : memref<!tpu.dma_semaphore, #tpu.memory_space<semaphore_mem>>)
      %dma_start3A_160 = arith.constant 0 : i32
      %dma_start3A_161 = arith.constant 0 : i32
      %dma_start3A_162 = arith.constant 0 : i32
      %dma_start3A_163 = tpu.memref_slice %arg8[%and3A_121, %dma_start3A_160, %dma_start3A_161, %dma_start3A_162] : memref<8x4x8x128xf32, #tpu.memory_space<vmem>> -> memref<1x4x8x128xf32, #tpu.memory_space<vmem>>
      %dma_start3A_164 = tpu.memref_squeeze %dma_start3A_163 : memref<1x4x8x128xf32, #tpu.memory_space<vmem>> -> memref<4x8x128xf32, #tpu.memory_space<vmem>>
      %dma_start3A_165 = tpu.memref_reshape %arg4 : memref<32x1000000xf32, #tpu.memory_space<hbm>> -> memref<4x8x1000000xf32, #tpu.memory_space<hbm>>
      %dma_start3A_166 = arith.constant 0 : i32
      %dma_start3A_167 = arith.constant 0 : i32
      %dma_start3A_168 = tpu.memref_slice %dma_start3A_165[%dma_start3A_166, %dma_start3A_167, %multiple_of3A_142] : memref<4x8x1000000xf32, #tpu.memory_space<hbm>> -> memref<4x8x128xf32, #tpu.memory_space<hbm>>
      %dma_start3A_169 = arith.constant 0 : i32
      %dma_start3A_170 = arith.constant 0 : i32
      %dma_start3A_171 = arith.constant 0 : i32
      %dma_start3A_172 = tpu.memref_slice %arg8[%and3A_121, %dma_start3A_169, %dma_start3A_170, %dma_start3A_171] : memref<8x4x8x128xf32, #tpu.memory_space<vmem>> -> memref<1x4x8x128xf32, #tpu.memory_space<vmem>>
      %dma_start3A_173 = tpu.memref_squeeze %dma_start3A_172 : memref<1x4x8x128xf32, #tpu.memory_space<vmem>> -> memref<4x8x128xf32, #tpu.memory_space<vmem>>
      %dma_start3A_174 = tpu.memref_reshape %arg4 : memref<32x1000000xf32, #tpu.memory_space<hbm>> -> memref<4x8x1000000xf32, #tpu.memory_space<hbm>>
      %dma_start3A_175 = arith.constant 0 : i32
      %dma_start3A_176 = arith.constant 0 : i32
      %dma_start3A_177 = tpu.memref_slice %dma_start3A_174[%dma_start3A_175, %dma_start3A_176, %multiple_of3A_142] : memref<4x8x1000000xf32, #tpu.memory_space<hbm>> -> memref<4x8x128xf32, #tpu.memory_space<hbm>>
      tpu.enqueue_dma source(%dma_start3A_177 : memref<4x8x128xf32, #tpu.memory_space<hbm>>) target(%dma_start3A_173 : memref<4x8x128xf32, #tpu.memory_space<vmem>>) target_semaphore(%arg12 : memref<!tpu.dma_semaphore, #tpu.memory_space<semaphore_mem>>)
    }
    %scan3A_35 = arith.constant 504 : i32
    %scan3A_36 = arith.constant 0 : i32
    %scan3A_37 = arith.constant 504 : i32
    %scan3A_38 = arith.constant 8 : i32
    %scan3A_39 = arith.addi %scan3A_37, %scan3A_38 : i32
    %scan3A_40 = arith.constant 1 : i32
    scf.for %scan3A_48 = %scan3A_37 to %scan3A_39 step %scan3A_40  : i32 {
      %and3A_49 = arith.constant 7 : i32
      %and3A_50 = arith.andi %scan3A_48, %and3A_49 : i32
      %dma_wait3A = arith.constant 0 : i32
      %dma_wait3A_51 = arith.constant 0 : i32
      %dma_wait3A_52 = arith.constant 0 : i32
      %dma_wait3A_53 = tpu.memref_slice %arg7[%and3A_50, %dma_wait3A, %dma_wait3A_51, %dma_wait3A_52] : memref<8x4x8x128xf32, #tpu.memory_space<vmem>> -> memref<1x4x8x128xf32, #tpu.memory_space<vmem>>
      %dma_wait3A_54 = tpu.memref_squeeze %dma_wait3A_53 : memref<1x4x8x128xf32, #tpu.memory_space<vmem>> -> memref<4x8x128xf32, #tpu.memory_space<vmem>>
      %dma_wait3A_55 = tpu.memref_reshape %arg3 : memref<32x1000000xf32, #tpu.memory_space<hbm>> -> memref<4x8x1000000xf32, #tpu.memory_space<hbm>>
      %dma_wait3A_56 = arith.constant 0 : i32
      %dma_wait3A_57 = arith.constant 0 : i32
      %dma_wait3A_58 = arith.constant 0 : i32
      %dma_wait3A_59 = tpu.memref_slice %dma_wait3A_55[%dma_wait3A_56, %dma_wait3A_57, %dma_wait3A_58] : memref<4x8x1000000xf32, #tpu.memory_space<hbm>> -> memref<4x8x128xf32, #tpu.memory_space<hbm>>
      %dma_wait3A_60 = arith.constant 0 : i32
      %dma_wait3A_61 = arith.constant 0 : i32
      %dma_wait3A_62 = arith.constant 0 : i32
      %dma_wait3A_63 = tpu.memref_slice %arg7[%and3A_50, %dma_wait3A_60, %dma_wait3A_61, %dma_wait3A_62] : memref<8x4x8x128xf32, #tpu.memory_space<vmem>> -> memref<1x4x8x128xf32, #tpu.memory_space<vmem>>
      %dma_wait3A_64 = tpu.memref_squeeze %dma_wait3A_63 : memref<1x4x8x128xf32, #tpu.memory_space<vmem>> -> memref<4x8x128xf32, #tpu.memory_space<vmem>>
      %dma_wait3A_65 = tpu.memref_reshape %arg3 : memref<32x1000000xf32, #tpu.memory_space<hbm>> -> memref<4x8x1000000xf32, #tpu.memory_space<hbm>>
      %dma_wait3A_66 = arith.constant 0 : i32
      %dma_wait3A_67 = arith.constant 0 : i32
      %dma_wait3A_68 = arith.constant 0 : i32
      %dma_wait3A_69 = tpu.memref_slice %dma_wait3A_65[%dma_wait3A_66, %dma_wait3A_67, %dma_wait3A_68] : memref<4x8x1000000xf32, #tpu.memory_space<hbm>> -> memref<4x8x128xf32, #tpu.memory_space<hbm>>
      tpu.wait_dma2 semaphore(%arg12 : memref<!tpu.dma_semaphore, #tpu.memory_space<semaphore_mem>>) src(%dma_wait3A_69 : memref<4x8x128xf32, #tpu.memory_space<hbm>>) dst(%dma_wait3A_64 : memref<4x8x128xf32, #tpu.memory_space<vmem>>)
      %dma_wait3A_70 = arith.constant 0 : i32
      %dma_wait3A_71 = arith.constant 0 : i32
      %dma_wait3A_72 = arith.constant 0 : i32
      %dma_wait3A_73 = tpu.memref_slice %arg8[%and3A_50, %dma_wait3A_70, %dma_wait3A_71, %dma_wait3A_72] : memref<8x4x8x128xf32, #tpu.memory_space<vmem>> -> memref<1x4x8x128xf32, #tpu.memory_space<vmem>>
      %dma_wait3A_74 = tpu.memref_squeeze %dma_wait3A_73 : memref<1x4x8x128xf32, #tpu.memory_space<vmem>> -> memref<4x8x128xf32, #tpu.memory_space<vmem>>
      %dma_wait3A_75 = tpu.memref_reshape %arg4 : memref<32x1000000xf32, #tpu.memory_space<hbm>> -> memref<4x8x1000000xf32, #tpu.memory_space<hbm>>
      %dma_wait3A_76 = arith.constant 0 : i32
      %dma_wait3A_77 = arith.constant 0 : i32
      %dma_wait3A_78 = arith.constant 0 : i32
      %dma_wait3A_79 = tpu.memref_slice %dma_wait3A_75[%dma_wait3A_76, %dma_wait3A_77, %dma_wait3A_78] : memref<4x8x1000000xf32, #tpu.memory_space<hbm>> -> memref<4x8x128xf32, #tpu.memory_space<hbm>>
      %dma_wait3A_80 = arith.constant 0 : i32
      %dma_wait3A_81 = arith.constant 0 : i32
      %dma_wait3A_82 = arith.constant 0 : i32
      %dma_wait3A_83 = tpu.memref_slice %arg8[%and3A_50, %dma_wait3A_80, %dma_wait3A_81, %dma_wait3A_82] : memref<8x4x8x128xf32, #tpu.memory_space<vmem>> -> memref<1x4x8x128xf32, #tpu.memory_space<vmem>>
      %dma_wait3A_84 = tpu.memref_squeeze %dma_wait3A_83 : memref<1x4x8x128xf32, #tpu.memory_space<vmem>> -> memref<4x8x128xf32, #tpu.memory_space<vmem>>
      %dma_wait3A_85 = tpu.memref_reshape %arg4 : memref<32x1000000xf32, #tpu.memory_space<hbm>> -> memref<4x8x1000000xf32, #tpu.memory_space<hbm>>
      %dma_wait3A_86 = arith.constant 0 : i32
      %dma_wait3A_87 = arith.constant 0 : i32
      %dma_wait3A_88 = arith.constant 0 : i32
      %dma_wait3A_89 = tpu.memref_slice %dma_wait3A_85[%dma_wait3A_86, %dma_wait3A_87, %dma_wait3A_88] : memref<4x8x1000000xf32, #tpu.memory_space<hbm>> -> memref<4x8x128xf32, #tpu.memory_space<hbm>>
      tpu.wait_dma2 semaphore(%arg12 : memref<!tpu.dma_semaphore, #tpu.memory_space<semaphore_mem>>) src(%dma_wait3A_89 : memref<4x8x128xf32, #tpu.memory_space<hbm>>) dst(%dma_wait3A_84 : memref<4x8x128xf32, #tpu.memory_space<vmem>>)
      %and3A_90 = arith.constant 7 : i32
      %and3A_91 = arith.andi %scan3A_48, %and3A_90 : i32
      %broadcast_in_dim3A = vector.broadcast %and3A_91 : i32 to vector<16xi32>
      %get3A = arith.constant 0 : i32
      %get3A_92 = arith.index_cast %get3A : i32 to index
      %get3A_93 = arith.index_cast %scan3A_48 : i32 to index
      %get3A_94 = tpu.vector_load %arg6[%get3A_92, %get3A_93] {strides = array<i32>} : memref<2x528xi32, #tpu.memory_space<vmem>>, vector<16xi32>,
      %slice3A = vector.extract_strided_slice %get3A_94 {offsets = [0], sizes = [1], strides = [1]} : vector<16xi32> to vector<1xi32>
      %squeeze3A = vector.extract %slice3A[0] : i32 from vector<1xi32>
      %and3A_95 = arith.constant 127 : i32
      %and3A_96 = arith.andi %squeeze3A, %and3A_95 : i32
      %broadcast_in_dim3A_97 = vector.broadcast %and3A_96 : i32 to vector<16xi32>
      %get3A_98 = arith.constant 1 : i32
      %get3A_99 = arith.index_cast %get3A_98 : i32 to index
      %get3A_100 = arith.index_cast %scan3A_48 : i32 to index
      %get3A_101 = tpu.vector_load %arg6[%get3A_99, %get3A_100] {strides = array<i32>} : memref<2x528xi32, #tpu.memory_space<vmem>>, vector<16xi32>,
      %slice3A_102 = vector.extract_strided_slice %get3A_101 {offsets = [0], sizes = [1], strides = [1]} : vector<16xi32> to vector<1xi32>
      %squeeze3A_103 = vector.extract %slice3A_102[0] : i32 from vector<1xi32>
      %and3A_104 = arith.constant 127 : i32
      %and3A_105 = arith.andi %squeeze3A_103, %and3A_104 : i32
      %broadcast_in_dim3A_106 = vector.broadcast %and3A_105 : i32 to vector<16xi32>
      %gather3A = tpu.vector_load_idx %arg7[%broadcast_in_dim3A, %shift_right_arithmetic3A_4, %and3A_6, %broadcast_in_dim3A_97] : memref<8x4x8x128xf32, #tpu.memory_space<vmem>>[vector<16xi32>, vector<16xi32>, vector<16xi32>, vector<16xi32>], vector<16xf32>,
      %gather3A_107 = tpu.vector_load_idx %arg7[%broadcast_in_dim3A, %add3A_12, %and3A_15, %broadcast_in_dim3A_97] : memref<8x4x8x128xf32, #tpu.memory_space<vmem>>[vector<16xi32>, vector<16xi32>, vector<16xi32>, vector<16xi32>], vector<16xf32>,
      %gather3A_108 = tpu.vector_load_idx %arg8[%broadcast_in_dim3A, %shift_right_arithmetic3A_4, %and3A_6, %broadcast_in_dim3A_106] : memref<8x4x8x128xf32, #tpu.memory_space<vmem>>[vector<16xi32>, vector<16xi32>, vector<16xi32>, vector<16xi32>], vector<16xf32>,
      %gather3A_109 = tpu.vector_load_idx %arg8[%broadcast_in_dim3A, %add3A_12, %and3A_15, %broadcast_in_dim3A_106] : memref<8x4x8x128xf32, #tpu.memory_space<vmem>>[vector<16xi32>, vector<16xi32>, vector<16xi32>, vector<16xi32>], vector<16xf32>,
      %add3A_110 = vector.broadcast %scan3A_48 : i32 to vector<16xi32>
      %add3A_111 = arith.addi %mul3A_18, %add3A_110 : vector<16xi32>
      tpu.vector_store_idx %arg9[%add3A_111], %gather3A : memref<16384xf32, #tpu.memory_space<vmem>>[vector<16xi32>], vector<16xf32>,
      %add3A_112 = vector.broadcast %scan3A_48 : i32 to vector<16xi32>
      %add3A_113 = arith.addi %mul3A_24, %add3A_112 : vector<16xi32>
      tpu.vector_store_idx %arg9[%add3A_113], %gather3A_107 : memref<16384xf32, #tpu.memory_space<vmem>>[vector<16xi32>], vector<16xf32>,
      %add3A_114 = vector.broadcast %scan3A_48 : i32 to vector<16xi32>
      %add3A_115 = arith.addi %mul3A_18, %add3A_114 : vector<16xi32>
      tpu.vector_store_idx %arg10[%add3A_115], %gather3A_108 : memref<16384xf32, #tpu.memory_space<vmem>>[vector<16xi32>], vector<16xf32>,
      %add3A_116 = vector.broadcast %scan3A_48 : i32 to vector<16xi32>
      %add3A_117 = arith.addi %mul3A_24, %add3A_116 : vector<16xi32>
      tpu.vector_store_idx %arg10[%add3A_117], %gather3A_109 : memref<16384xf32, #tpu.memory_space<vmem>>[vector<16xi32>], vector<16xf32>,
    }
    %scan3A_41 = arith.constant 8 : i32
    %scan3A_42 = arith.constant 0 : i32
    %scan3A_43 = arith.constant 0 : i32
    %scan3A_44 = arith.constant 32 : i32
    %scan3A_45 = arith.addi %scan3A_43, %scan3A_44 : i32
    %scan3A_46 = arith.constant 1 : i32
    scf.for %scan3A_48 = %scan3A_43 to %scan3A_45 step %scan3A_46  : i32 {
      %mul3A_49 = arith.constant 16 : i32
      %mul3A_50 = arith.muli %scan3A_48, %mul3A_49 : i32
      %broadcast_in_dim3A = arith.constant 0.000000e+00 : f32
      %broadcast_in_dim3A_51 = vector.broadcast %broadcast_in_dim3A : f32 to vector<16xf32>
      %mul3A_52 = arith.constant 16 : i32
      %mul3A_53 = arith.muli %scan3A_48, %mul3A_52 : i32
      %add3A_54 = arith.constant 0 : i32
      %add3A_55 = arith.addi %add3A_54, %mul3A_53 : i32
      %get3A = arith.index_cast %add3A_55 : i32 to index
      %get3A_56 = tpu.vector_load %arg9[%get3A] {strides = array<i32>} : memref<16384xf32, #tpu.memory_space<vmem>>, vector<16xf32>,
      %get3A_57 = arith.index_cast %add3A_55 : i32 to index
      %get3A_58 = tpu.vector_load %arg10[%get3A_57] {strides = array<i32>} : memref<16384xf32, #tpu.memory_space<vmem>>, vector<16xf32>,
      %mul3A_59 = arith.mulf %get3A_56, %get3A_58 : vector<16xf32>
      %add3A_60 = arith.addf %broadcast_in_dim3A_51, %mul3A_59 : vector<16xf32>
      %mul3A_61 = arith.constant 16 : i32
      %mul3A_62 = arith.muli %scan3A_48, %mul3A_61 : i32
      %add3A_63 = arith.constant 512 : i32
      %add3A_64 = arith.addi %add3A_63, %mul3A_62 : i32
      %get3A_65 = arith.index_cast %add3A_64 : i32 to index
      %get3A_66 = tpu.vector_load %arg9[%get3A_65] {strides = array<i32>} : memref<16384xf32, #tpu.memory_space<vmem>>, vector<16xf32>,
      %get3A_67 = arith.index_cast %add3A_64 : i32 to index
      %get3A_68 = tpu.vector_load %arg10[%get3A_67] {strides = array<i32>} : memref<16384xf32, #tpu.memory_space<vmem>>, vector<16xf32>,
      %mul3A_69 = arith.mulf %get3A_66, %get3A_68 : vector<16xf32>
      %add3A_70 = arith.addf %add3A_60, %mul3A_69 : vector<16xf32>
      %mul3A_71 = arith.constant 16 : i32
      %mul3A_72 = arith.muli %scan3A_48, %mul3A_71 : i32
      %add3A_73 = arith.constant 1024 : i32
      %add3A_74 = arith.addi %add3A_73, %mul3A_72 : i32
      %get3A_75 = arith.index_cast %add3A_74 : i32 to index
      %get3A_76 = tpu.vector_load %arg9[%get3A_75] {strides = array<i32>} : memref<16384xf32, #tpu.memory_space<vmem>>, vector<16xf32>,
      %get3A_77 = arith.index_cast %add3A_74 : i32 to index
      %get3A_78 = tpu.vector_load %arg10[%get3A_77] {strides = array<i32>} : memref<16384xf32, #tpu.memory_space<vmem>>, vector<16xf32>,
      %mul3A_79 = arith.mulf %get3A_76, %get3A_78 : vector<16xf32>
      %add3A_80 = arith.addf %add3A_70, %mul3A_79 : vector<16xf32>
      %mul3A_81 = arith.constant 16 : i32
      %mul3A_82 = arith.muli %scan3A_48, %mul3A_81 : i32
      %add3A_83 = arith.constant 1536 : i32
      %add3A_84 = arith.addi %add3A_83, %mul3A_82 : i32
      %get3A_85 = arith.index_cast %add3A_84 : i32 to index
      %get3A_86 = tpu.vector_load %arg9[%get3A_85] {strides = array<i32>} : memref<16384xf32, #tpu.memory_space<vmem>>, vector<16xf32>,
      %get3A_87 = arith.index_cast %add3A_84 : i32 to index
      %get3A_88 = tpu.vector_load %arg10[%get3A_87] {strides = array<i32>} : memref<16384xf32, #tpu.memory_space<vmem>>, vector<16xf32>,
      %mul3A_89 = arith.mulf %get3A_86, %get3A_88 : vector<16xf32>
      %add3A_90 = arith.addf %add3A_80, %mul3A_89 : vector<16xf32>
      %mul3A_91 = arith.constant 16 : i32
      %mul3A_92 = arith.muli %scan3A_48, %mul3A_91 : i32
      %add3A_93 = arith.constant 2048 : i32
      %add3A_94 = arith.addi %add3A_93, %mul3A_92 : i32
      %get3A_95 = arith.index_cast %add3A_94 : i32 to index
      %get3A_96 = tpu.vector_load %arg9[%get3A_95] {strides = array<i32>} : memref<16384xf32, #tpu.memory_space<vmem>>, vector<16xf32>,
      %get3A_97 = arith.index_cast %add3A_94 : i32 to index
      %get3A_98 = tpu.vector_load %arg10[%get3A_97] {strides = array<i32>} : memref<16384xf32, #tpu.memory_space<vmem>>, vector<16xf32>,
      %mul3A_99 = arith.mulf %get3A_96, %get3A_98 : vector<16xf32>
      %add3A_100 = arith.addf %add3A_90, %mul3A_99 : vector<16xf32>
      %mul3A_101 = arith.constant 16 : i32
      %mul3A_102 = arith.muli %scan3A_48, %mul3A_101 : i32
      %add3A_103 = arith.constant 2560 : i32
      %add3A_104 = arith.addi %add3A_103, %mul3A_102 : i32
      %get3A_105 = arith.index_cast %add3A_104 : i32 to index
      %get3A_106 = tpu.vector_load %arg9[%get3A_105] {strides = array<i32>} : memref<16384xf32, #tpu.memory_space<vmem>>, vector<16xf32>,
      %get3A_107 = arith.index_cast %add3A_104 : i32 to index
      %get3A_108 = tpu.vector_load %arg10[%get3A_107] {strides = array<i32>} : memref<16384xf32, #tpu.memory_space<vmem>>, vector<16xf32>,
      %mul3A_109 = arith.mulf %get3A_106, %get3A_108 : vector<16xf32>
      %add3A_110 = arith.addf %add3A_100, %mul3A_109 : vector<16xf32>
      %mul3A_111 = arith.constant 16 : i32
      %mul3A_112 = arith.muli %scan3A_48, %mul3A_111 : i32
      %add3A_113 = arith.constant 3072 : i32
      %add3A_114 = arith.addi %add3A_113, %mul3A_112 : i32
      %get3A_115 = arith.index_cast %add3A_114 : i32 to index
      %get3A_116 = tpu.vector_load %arg9[%get3A_115] {strides = array<i32>} : memref<16384xf32, #tpu.memory_space<vmem>>, vector<16xf32>,
      %get3A_117 = arith.index_cast %add3A_114 : i32 to index
      %get3A_118 = tpu.vector_load %arg10[%get3A_117] {strides = array<i32>} : memref<16384xf32, #tpu.memory_space<vmem>>, vector<16xf32>,
      %mul3A_119 = arith.mulf %get3A_116, %get3A_118 : vector<16xf32>
      %add3A_120 = arith.addf %add3A_110, %mul3A_119 : vector<16xf32>
      %mul3A_121 = arith.constant 16 : i32
      %mul3A_122 = arith.muli %scan3A_48, %mul3A_121 : i32
      %add3A_123 = arith.constant 3584 : i32
      %add3A_124 = arith.addi %add3A_123, %mul3A_122 : i32
      %get3A_125 = arith.index_cast %add3A_124 : i32 to index
      %get3A_126 = tpu.vector_load %arg9[%get3A_125] {strides = array<i32>} : memref<16384xf32, #tpu.memory_space<vmem>>, vector<16xf32>,
      %get3A_127 = arith.index_cast %add3A_124 : i32 to index
      %get3A_128 = tpu.vector_load %arg10[%get3A_127] {strides = array<i32>} : memref<16384xf32, #tpu.memory_space<vmem>>, vector<16xf32>,
      %mul3A_129 = arith.mulf %get3A_126, %get3A_128 : vector<16xf32>
      %add3A_130 = arith.addf %add3A_120, %mul3A_129 : vector<16xf32>
      %mul3A_131 = arith.constant 16 : i32
      %mul3A_132 = arith.muli %scan3A_48, %mul3A_131 : i32
      %add3A_133 = arith.constant 4096 : i32
      %add3A_134 = arith.addi %add3A_133, %mul3A_132 : i32
      %get3A_135 = arith.index_cast %add3A_134 : i32 to index
      %get3A_136 = tpu.vector_load %arg9[%get3A_135] {strides = array<i32>} : memref<16384xf32, #tpu.memory_space<vmem>>, vector<16xf32>,
      %get3A_137 = arith.index_cast %add3A_134 : i32 to index
      %get3A_138 = tpu.vector_load %arg10[%get3A_137] {strides = array<i32>} : memref<16384xf32, #tpu.memory_space<vmem>>, vector<16xf32>,
      %mul3A_139 = arith.mulf %get3A_136, %get3A_138 : vector<16xf32>
      %add3A_140 = arith.addf %add3A_130, %mul3A_139 : vector<16xf32>
      %mul3A_141 = arith.constant 16 : i32
      %mul3A_142 = arith.muli %scan3A_48, %mul3A_141 : i32
      %add3A_143 = arith.constant 4608 : i32
      %add3A_144 = arith.addi %add3A_143, %mul3A_142 : i32
      %get3A_145 = arith.index_cast %add3A_144 : i32 to index
      %get3A_146 = tpu.vector_load %arg9[%get3A_145] {strides = array<i32>} : memref<16384xf32, #tpu.memory_space<vmem>>, vector<16xf32>,
      %get3A_147 = arith.index_cast %add3A_144 : i32 to index
      %get3A_148 = tpu.vector_load %arg10[%get3A_147] {strides = array<i32>} : memref<16384xf32, #tpu.memory_space<vmem>>, vector<16xf32>,
      %mul3A_149 = arith.mulf %get3A_146, %get3A_148 : vector<16xf32>
      %add3A_150 = arith.addf %add3A_140, %mul3A_149 : vector<16xf32>
      %mul3A_151 = arith.constant 16 : i32
      %mul3A_152 = arith.muli %scan3A_48, %mul3A_151 : i32
      %add3A_153 = arith.constant 5120 : i32
      %add3A_154 = arith.addi %add3A_153, %mul3A_152 : i32
      %get3A_155 = arith.index_cast %add3A_154 : i32 to index
      %get3A_156 = tpu.vector_load %arg9[%get3A_155] {strides = array<i32>} : memref<16384xf32, #tpu.memory_space<vmem>>, vector<16xf32>,
      %get3A_157 = arith.index_cast %add3A_154 : i32 to index
      %get3A_158 = tpu.vector_load %arg10[%get3A_157] {strides = array<i32>} : memref<16384xf32, #tpu.memory_space<vmem>>, vector<16xf32>,
      %mul3A_159 = arith.mulf %get3A_156, %get3A_158 : vector<16xf32>
      %add3A_160 = arith.addf %add3A_150, %mul3A_159 : vector<16xf32>
      %mul3A_161 = arith.constant 16 : i32
      %mul3A_162 = arith.muli %scan3A_48, %mul3A_161 : i32
      %add3A_163 = arith.constant 5632 : i32
      %add3A_164 = arith.addi %add3A_163, %mul3A_162 : i32
      %get3A_165 = arith.index_cast %add3A_164 : i32 to index
      %get3A_166 = tpu.vector_load %arg9[%get3A_165] {strides = array<i32>} : memref<16384xf32, #tpu.memory_space<vmem>>, vector<16xf32>,
      %get3A_167 = arith.index_cast %add3A_164 : i32 to index
      %get3A_168 = tpu.vector_load %arg10[%get3A_167] {strides = array<i32>} : memref<16384xf32, #tpu.memory_space<vmem>>, vector<16xf32>,
      %mul3A_169 = arith.mulf %get3A_166, %get3A_168 : vector<16xf32>
      %add3A_170 = arith.addf %add3A_160, %mul3A_169 : vector<16xf32>
      %mul3A_171 = arith.constant 16 : i32
      %mul3A_172 = arith.muli %scan3A_48, %mul3A_171 : i32
      %add3A_173 = arith.constant 6144 : i32
      %add3A_174 = arith.addi %add3A_173, %mul3A_172 : i32
      %get3A_175 = arith.index_cast %add3A_174 : i32 to index
      %get3A_176 = tpu.vector_load %arg9[%get3A_175] {strides = array<i32>} : memref<16384xf32, #tpu.memory_space<vmem>>, vector<16xf32>,
      %get3A_177 = arith.index_cast %add3A_174 : i32 to index
      %get3A_178 = tpu.vector_load %arg10[%get3A_177] {strides = array<i32>} : memref<16384xf32, #tpu.memory_space<vmem>>, vector<16xf32>,
      %mul3A_179 = arith.mulf %get3A_176, %get3A_178 : vector<16xf32>
      %add3A_180 = arith.addf %add3A_170, %mul3A_179 : vector<16xf32>
      %mul3A_181 = arith.constant 16 : i32
      %mul3A_182 = arith.muli %scan3A_48, %mul3A_181 : i32
      %add3A_183 = arith.constant 6656 : i32
      %add3A_184 = arith.addi %add3A_183, %mul3A_182 : i32
      %get3A_185 = arith.index_cast %add3A_184 : i32 to index
      %get3A_186 = tpu.vector_load %arg9[%get3A_185] {strides = array<i32>} : memref<16384xf32, #tpu.memory_space<vmem>>, vector<16xf32>,
      %get3A_187 = arith.index_cast %add3A_184 : i32 to index
      %get3A_188 = tpu.vector_load %arg10[%get3A_187] {strides = array<i32>} : memref<16384xf32, #tpu.memory_space<vmem>>, vector<16xf32>,
      %mul3A_189 = arith.mulf %get3A_186, %get3A_188 : vector<16xf32>
      %add3A_190 = arith.addf %add3A_180, %mul3A_189 : vector<16xf32>
      %mul3A_191 = arith.constant 16 : i32
      %mul3A_192 = arith.muli %scan3A_48, %mul3A_191 : i32
      %add3A_193 = arith.constant 7168 : i32
      %add3A_194 = arith.addi %add3A_193, %mul3A_192 : i32
      %get3A_195 = arith.index_cast %add3A_194 : i32 to index
      %get3A_196 = tpu.vector_load %arg9[%get3A_195] {strides = array<i32>} : memref<16384xf32, #tpu.memory_space<vmem>>, vector<16xf32>,
      %get3A_197 = arith.index_cast %add3A_194 : i32 to index
      %get3A_198 = tpu.vector_load %arg10[%get3A_197] {strides = array<i32>} : memref<16384xf32, #tpu.memory_space<vmem>>, vector<16xf32>,
      %mul3A_199 = arith.mulf %get3A_196, %get3A_198 : vector<16xf32>
      %add3A_200 = arith.addf %add3A_190, %mul3A_199 : vector<16xf32>
      %mul3A_201 = arith.constant 16 : i32
      %mul3A_202 = arith.muli %scan3A_48, %mul3A_201 : i32
      %add3A_203 = arith.constant 7680 : i32
      %add3A_204 = arith.addi %add3A_203, %mul3A_202 : i32
      %get3A_205 = arith.index_cast %add3A_204 : i32 to index
      %get3A_206 = tpu.vector_load %arg9[%get3A_205] {strides = array<i32>} : memref<16384xf32, #tpu.memory_space<vmem>>, vector<16xf32>,
      %get3A_207 = arith.index_cast %add3A_204 : i32 to index
      %get3A_208 = tpu.vector_load %arg10[%get3A_207] {strides = array<i32>} : memref<16384xf32, #tpu.memory_space<vmem>>, vector<16xf32>,
      %mul3A_209 = arith.mulf %get3A_206, %get3A_208 : vector<16xf32>
      %add3A_210 = arith.addf %add3A_200, %mul3A_209 : vector<16xf32>
      %mul3A_211 = arith.constant 16 : i32
      %mul3A_212 = arith.muli %scan3A_48, %mul3A_211 : i32
      %add3A_213 = arith.constant 8192 : i32
      %add3A_214 = arith.addi %add3A_213, %mul3A_212 : i32
      %get3A_215 = arith.index_cast %add3A_214 : i32 to index
      %get3A_216 = tpu.vector_load %arg9[%get3A_215] {strides = array<i32>} : memref<16384xf32, #tpu.memory_space<vmem>>, vector<16xf32>,
      %get3A_217 = arith.index_cast %add3A_214 : i32 to index
      %get3A_218 = tpu.vector_load %arg10[%get3A_217] {strides = array<i32>} : memref<16384xf32, #tpu.memory_space<vmem>>, vector<16xf32>,
      %mul3A_219 = arith.mulf %get3A_216, %get3A_218 : vector<16xf32>
      %add3A_220 = arith.addf %add3A_210, %mul3A_219 : vector<16xf32>
      %mul3A_221 = arith.constant 16 : i32
      %mul3A_222 = arith.muli %scan3A_48, %mul3A_221 : i32
      %add3A_223 = arith.constant 8704 : i32
      %add3A_224 = arith.addi %add3A_223, %mul3A_222 : i32
      %get3A_225 = arith.index_cast %add3A_224 : i32 to index
      %get3A_226 = tpu.vector_load %arg9[%get3A_225] {strides = array<i32>} : memref<16384xf32, #tpu.memory_space<vmem>>, vector<16xf32>,
      %get3A_227 = arith.index_cast %add3A_224 : i32 to index
      %get3A_228 = tpu.vector_load %arg10[%get3A_227] {strides = array<i32>} : memref<16384xf32, #tpu.memory_space<vmem>>, vector<16xf32>,
      %mul3A_229 = arith.mulf %get3A_226, %get3A_228 : vector<16xf32>
      %add3A_230 = arith.addf %add3A_220, %mul3A_229 : vector<16xf32>
      %mul3A_231 = arith.constant 16 : i32
      %mul3A_232 = arith.muli %scan3A_48, %mul3A_231 : i32
      %add3A_233 = arith.constant 9216 : i32
      %add3A_234 = arith.addi %add3A_233, %mul3A_232 : i32
      %get3A_235 = arith.index_cast %add3A_234 : i32 to index
      %get3A_236 = tpu.vector_load %arg9[%get3A_235] {strides = array<i32>} : memref<16384xf32, #tpu.memory_space<vmem>>, vector<16xf32>,
      %get3A_237 = arith.index_cast %add3A_234 : i32 to index
      %get3A_238 = tpu.vector_load %arg10[%get3A_237] {strides = array<i32>} : memref<16384xf32, #tpu.memory_space<vmem>>, vector<16xf32>,
      %mul3A_239 = arith.mulf %get3A_236, %get3A_238 : vector<16xf32>
      %add3A_240 = arith.addf %add3A_230, %mul3A_239 : vector<16xf32>
      %mul3A_241 = arith.constant 16 : i32
      %mul3A_242 = arith.muli %scan3A_48, %mul3A_241 : i32
      %add3A_243 = arith.constant 9728 : i32
      %add3A_244 = arith.addi %add3A_243, %mul3A_242 : i32
      %get3A_245 = arith.index_cast %add3A_244 : i32 to index
      %get3A_246 = tpu.vector_load %arg9[%get3A_245] {strides = array<i32>} : memref<16384xf32, #tpu.memory_space<vmem>>, vector<16xf32>,
      %get3A_247 = arith.index_cast %add3A_244 : i32 to index
      %get3A_248 = tpu.vector_load %arg10[%get3A_247] {strides = array<i32>} : memref<16384xf32, #tpu.memory_space<vmem>>, vector<16xf32>,
      %mul3A_249 = arith.mulf %get3A_246, %get3A_248 : vector<16xf32>
      %add3A_250 = arith.addf %add3A_240, %mul3A_249 : vector<16xf32>
      %mul3A_251 = arith.constant 16 : i32
      %mul3A_252 = arith.muli %scan3A_48, %mul3A_251 : i32
      %add3A_253 = arith.constant 10240 : i32
      %add3A_254 = arith.addi %add3A_253, %mul3A_252 : i32
      %get3A_255 = arith.index_cast %add3A_254 : i32 to index
      %get3A_256 = tpu.vector_load %arg9[%get3A_255] {strides = array<i32>} : memref<16384xf32, #tpu.memory_space<vmem>>, vector<16xf32>,
      %get3A_257 = arith.index_cast %add3A_254 : i32 to index
      %get3A_258 = tpu.vector_load %arg10[%get3A_257] {strides = array<i32>} : memref<16384xf32, #tpu.memory_space<vmem>>, vector<16xf32>,
      %mul3A_259 = arith.mulf %get3A_256, %get3A_258 : vector<16xf32>
      %add3A_260 = arith.addf %add3A_250, %mul3A_259 : vector<16xf32>
      %mul3A_261 = arith.constant 16 : i32
      %mul3A_262 = arith.muli %scan3A_48, %mul3A_261 : i32
      %add3A_263 = arith.constant 10752 : i32
      %add3A_264 = arith.addi %add3A_263, %mul3A_262 : i32
      %get3A_265 = arith.index_cast %add3A_264 : i32 to index
      %get3A_266 = tpu.vector_load %arg9[%get3A_265] {strides = array<i32>} : memref<16384xf32, #tpu.memory_space<vmem>>, vector<16xf32>,
      %get3A_267 = arith.index_cast %add3A_264 : i32 to index
      %get3A_268 = tpu.vector_load %arg10[%get3A_267] {strides = array<i32>} : memref<16384xf32, #tpu.memory_space<vmem>>, vector<16xf32>,
      %mul3A_269 = arith.mulf %get3A_266, %get3A_268 : vector<16xf32>
      %add3A_270 = arith.addf %add3A_260, %mul3A_269 : vector<16xf32>
      %mul3A_271 = arith.constant 16 : i32
      %mul3A_272 = arith.muli %scan3A_48, %mul3A_271 : i32
      %add3A_273 = arith.constant 11264 : i32
      %add3A_274 = arith.addi %add3A_273, %mul3A_272 : i32
      %get3A_275 = arith.index_cast %add3A_274 : i32 to index
      %get3A_276 = tpu.vector_load %arg9[%get3A_275] {strides = array<i32>} : memref<16384xf32, #tpu.memory_space<vmem>>, vector<16xf32>,
      %get3A_277 = arith.index_cast %add3A_274 : i32 to index
      %get3A_278 = tpu.vector_load %arg10[%get3A_277] {strides = array<i32>} : memref<16384xf32, #tpu.memory_space<vmem>>, vector<16xf32>,
      %mul3A_279 = arith.mulf %get3A_276, %get3A_278 : vector<16xf32>
      %add3A_280 = arith.addf %add3A_270, %mul3A_279 : vector<16xf32>
      %mul3A_281 = arith.constant 16 : i32
      %mul3A_282 = arith.muli %scan3A_48, %mul3A_281 : i32
      %add3A_283 = arith.constant 11776 : i32
      %add3A_284 = arith.addi %add3A_283, %mul3A_282 : i32
      %get3A_285 = arith.index_cast %add3A_284 : i32 to index
      %get3A_286 = tpu.vector_load %arg9[%get3A_285] {strides = array<i32>} : memref<16384xf32, #tpu.memory_space<vmem>>, vector<16xf32>,
      %get3A_287 = arith.index_cast %add3A_284 : i32 to index
      %get3A_288 = tpu.vector_load %arg10[%get3A_287] {strides = array<i32>} : memref<16384xf32, #tpu.memory_space<vmem>>, vector<16xf32>,
      %mul3A_289 = arith.mulf %get3A_286, %get3A_288 : vector<16xf32>
      %add3A_290 = arith.addf %add3A_280, %mul3A_289 : vector<16xf32>
      %mul3A_291 = arith.constant 16 : i32
      %mul3A_292 = arith.muli %scan3A_48, %mul3A_291 : i32
      %add3A_293 = arith.constant 12288 : i32
      %add3A_294 = arith.addi %add3A_293, %mul3A_292 : i32
      %get3A_295 = arith.index_cast %add3A_294 : i32 to index
      %get3A_296 = tpu.vector_load %arg9[%get3A_295] {strides = array<i32>} : memref<16384xf32, #tpu.memory_space<vmem>>, vector<16xf32>,
      %get3A_297 = arith.index_cast %add3A_294 : i32 to index
      %get3A_298 = tpu.vector_load %arg10[%get3A_297] {strides = array<i32>} : memref<16384xf32, #tpu.memory_space<vmem>>, vector<16xf32>,
      %mul3A_299 = arith.mulf %get3A_296, %get3A_298 : vector<16xf32>
      %add3A_300 = arith.addf %add3A_290, %mul3A_299 : vector<16xf32>
      %mul3A_301 = arith.constant 16 : i32
      %mul3A_302 = arith.muli %scan3A_48, %mul3A_301 : i32
      %add3A_303 = arith.constant 12800 : i32
      %add3A_304 = arith.addi %add3A_303, %mul3A_302 : i32
      %get3A_305 = arith.index_cast %add3A_304 : i32 to index
      %get3A_306 = tpu.vector_load %arg9[%get3A_305] {strides = array<i32>} : memref<16384xf32, #tpu.memory_space<vmem>>, vector<16xf32>,
      %get3A_307 = arith.index_cast %add3A_304 : i32 to index
      %get3A_308 = tpu.vector_load %arg10[%get3A_307] {strides = array<i32>} : memref<16384xf32, #tpu.memory_space<vmem>>, vector<16xf32>,
      %mul3A_309 = arith.mulf %get3A_306, %get3A_308 : vector<16xf32>
      %add3A_310 = arith.addf %add3A_300, %mul3A_309 : vector<16xf32>
      %mul3A_311 = arith.constant 16 : i32
      %mul3A_312 = arith.muli %scan3A_48, %mul3A_311 : i32
      %add3A_313 = arith.constant 13312 : i32
      %add3A_314 = arith.addi %add3A_313, %mul3A_312 : i32
      %get3A_315 = arith.index_cast %add3A_314 : i32 to index
      %get3A_316 = tpu.vector_load %arg9[%get3A_315] {strides = array<i32>} : memref<16384xf32, #tpu.memory_space<vmem>>, vector<16xf32>,
      %get3A_317 = arith.index_cast %add3A_314 : i32 to index
      %get3A_318 = tpu.vector_load %arg10[%get3A_317] {strides = array<i32>} : memref<16384xf32, #tpu.memory_space<vmem>>, vector<16xf32>,
      %mul3A_319 = arith.mulf %get3A_316, %get3A_318 : vector<16xf32>
      %add3A_320 = arith.addf %add3A_310, %mul3A_319 : vector<16xf32>
      %mul3A_321 = arith.constant 16 : i32
      %mul3A_322 = arith.muli %scan3A_48, %mul3A_321 : i32
      %add3A_323 = arith.constant 13824 : i32
      %add3A_324 = arith.addi %add3A_323, %mul3A_322 : i32
      %get3A_325 = arith.index_cast %add3A_324 : i32 to index
      %get3A_326 = tpu.vector_load %arg9[%get3A_325] {strides = array<i32>} : memref<16384xf32, #tpu.memory_space<vmem>>, vector<16xf32>,
      %get3A_327 = arith.index_cast %add3A_324 : i32 to index
      %get3A_328 = tpu.vector_load %arg10[%get3A_327] {strides = array<i32>} : memref<16384xf32, #tpu.memory_space<vmem>>, vector<16xf32>,
      %mul3A_329 = arith.mulf %get3A_326, %get3A_328 : vector<16xf32>
      %add3A_330 = arith.addf %add3A_320, %mul3A_329 : vector<16xf32>
      %mul3A_331 = arith.constant 16 : i32
      %mul3A_332 = arith.muli %scan3A_48, %mul3A_331 : i32
      %add3A_333 = arith.constant 14336 : i32
      %add3A_334 = arith.addi %add3A_333, %mul3A_332 : i32
      %get3A_335 = arith.index_cast %add3A_334 : i32 to index
      %get3A_336 = tpu.vector_load %arg9[%get3A_335] {strides = array<i32>} : memref<16384xf32, #tpu.memory_space<vmem>>, vector<16xf32>,
      %get3A_337 = arith.index_cast %add3A_334 : i32 to index
      %get3A_338 = tpu.vector_load %arg10[%get3A_337] {strides = array<i32>} : memref<16384xf32, #tpu.memory_space<vmem>>, vector<16xf32>,
      %mul3A_339 = arith.mulf %get3A_336, %get3A_338 : vector<16xf32>
      %add3A_340 = arith.addf %add3A_330, %mul3A_339 : vector<16xf32>
      %mul3A_341 = arith.constant 16 : i32
      %mul3A_342 = arith.muli %scan3A_48, %mul3A_341 : i32
      %add3A_343 = arith.constant 14848 : i32
      %add3A_344 = arith.addi %add3A_343, %mul3A_342 : i32
      %get3A_345 = arith.index_cast %add3A_344 : i32 to index
      %get3A_346 = tpu.vector_load %arg9[%get3A_345] {strides = array<i32>} : memref<16384xf32, #tpu.memory_space<vmem>>, vector<16xf32>,
      %get3A_347 = arith.index_cast %add3A_344 : i32 to index
      %get3A_348 = tpu.vector_load %arg10[%get3A_347] {strides = array<i32>} : memref<16384xf32, #tpu.memory_space<vmem>>, vector<16xf32>,
      %mul3A_349 = arith.mulf %get3A_346, %get3A_348 : vector<16xf32>
      %add3A_350 = arith.addf %add3A_340, %mul3A_349 : vector<16xf32>
      %mul3A_351 = arith.constant 16 : i32
      %mul3A_352 = arith.muli %scan3A_48, %mul3A_351 : i32
      %add3A_353 = arith.constant 15360 : i32
      %add3A_354 = arith.addi %add3A_353, %mul3A_352 : i32
      %get3A_355 = arith.index_cast %add3A_354 : i32 to index
      %get3A_356 = tpu.vector_load %arg9[%get3A_355] {strides = array<i32>} : memref<16384xf32, #tpu.memory_space<vmem>>, vector<16xf32>,
      %get3A_357 = arith.index_cast %add3A_354 : i32 to index
      %get3A_358 = tpu.vector_load %arg10[%get3A_357] {strides = array<i32>} : memref<16384xf32, #tpu.memory_space<vmem>>, vector<16xf32>,
      %mul3A_359 = arith.mulf %get3A_356, %get3A_358 : vector<16xf32>
      %add3A_360 = arith.addf %add3A_350, %mul3A_359 : vector<16xf32>
      %mul3A_361 = arith.constant 16 : i32
      %mul3A_362 = arith.muli %scan3A_48, %mul3A_361 : i32
      %add3A_363 = arith.constant 15872 : i32
      %add3A_364 = arith.addi %add3A_363, %mul3A_362 : i32
      %get3A_365 = arith.index_cast %add3A_364 : i32 to index
      %get3A_366 = tpu.vector_load %arg9[%get3A_365] {strides = array<i32>} : memref<16384xf32, #tpu.memory_space<vmem>>, vector<16xf32>,
      %get3A_367 = arith.index_cast %add3A_364 : i32 to index
      %get3A_368 = tpu.vector_load %arg10[%get3A_367] {strides = array<i32>} : memref<16384xf32, #tpu.memory_space<vmem>>, vector<16xf32>,
      %mul3A_369 = arith.mulf %get3A_366, %get3A_368 : vector<16xf32>
      %add3A_370 = arith.addf %add3A_360, %mul3A_369 : vector<16xf32>
      %swap3A = arith.index_cast %mul3A_50 : i32 to index
      %swap3A_371 = tpu.vector_load %arg11[%swap3A] {strides = array<i32>} : memref<512xf32, #tpu.memory_space<vmem>>, vector<16xf32>,
      tpu.vector_store %arg11[%swap3A], %add3A_370 {strides = array<i32>} : memref<512xf32, #tpu.memory_space<vmem>>, vector<16xf32>,
    }
    %scan3A_47 = arith.constant 32 : i32
    "tpu.region"() ({
      %run_scoped3A = tpu.sem_alloc : memref<!tpu.dma_semaphore, #tpu.memory_space<semaphore_mem>>
      %dma_start3A = tpu.memref_slice %arg5[%mul3A_2] : memref<16384xf32, #tpu.memory_space<hbm>> -> memref<512xf32, #tpu.memory_space<hbm>>
      %dma_start3A_48 = tpu.memref_slice %arg5[%mul3A_2] : memref<16384xf32, #tpu.memory_space<hbm>> -> memref<512xf32, #tpu.memory_space<hbm>>
      tpu.enqueue_dma source(%arg11 : memref<512xf32, #tpu.memory_space<vmem>>) target(%dma_start3A_48 : memref<512xf32, #tpu.memory_space<hbm>>) target_semaphore(%run_scoped3A : memref<!tpu.dma_semaphore, #tpu.memory_space<semaphore_mem>>)
      %dma_wait3A = tpu.memref_slice %arg5[%mul3A_2] : memref<16384xf32, #tpu.memory_space<hbm>> -> memref<512xf32, #tpu.memory_space<hbm>>
      %dma_wait3A_49 = tpu.memref_slice %arg5[%mul3A_2] : memref<16384xf32, #tpu.memory_space<hbm>> -> memref<512xf32, #tpu.memory_space<hbm>>
      tpu.wait_dma2 semaphore(%run_scoped3A : memref<!tpu.dma_semaphore, #tpu.memory_space<semaphore_mem>>) src(%arg11 : memref<512xf32, #tpu.memory_space<vmem>>) dst(%dma_wait3A_49 : memref<512xf32, #tpu.memory_space<hbm>>)
      tpu.yield
    }) : () -> ()
    return
  }
}

</mosaic_0001>

<sc_bundles>
// kernel: kernel.3.cloned.1.call-start
scs
__scs_entry_jumppad:
0x0: {  	(pc) =	sbr.rel $0x88, $3  }
0x1: {  	(tag) =	ssettag $0x0;
	lr =	simm.s32 $0x1  }
0x2: {  	[smem:$0x3F9E] =	sst lr;
	_ =	strace $0xD0000000  }
0x3: {  	_ = 	snop  }
0x4: {  	_ = 	snop  }
0x5: {  	_ = 	snop  }
0x6: {  	_ = 	snop  }
0x7: {  	_ = 	snop  }
__scs_overlays_trampoline_lowered:
0x8: {  	[smem:$0x3FAD] =	sst s0  }
0x9: {  	[smem:$0x3FAE] =	sst s1  }
0xa: {  	[smem:$0x3FAF] =	sst s2  }
0xb: {  	[smem:$0x3FB0] =	sst s3  }
0xc: {  	[smem:$0x3FB1] =	sst s4  }
0xd: {  	[smem:$0x3FB2] =	sst s5  }
0xe: {  	[smem:$0x3FB3] =	sst s6  }
0xf: {  	[smem:$0x3FB4] =	sst s7  }
0x10: {  	[smem:$0x3FB5] =	sst s8  }
0x11: {  	[smem:$0x3FB6] =	sst s9;
	s0 =	simm.s32 @!p0 $0x0  }
0x12: {  	s1 =	sld [smem:$0x3F9C];
	s0 =	simm.s32 @p0 $0x1  }
0x13: {  	[smem:$0x3FB7] =	sst s0;
	s0 =	simm.s32 @!p1 $0x0  }
0x14: {  	s2 =	sld [smem:$0x3F9B];
	s0 =	simm.s32 @p1 $0x1  }
0x15: {  	[smem:$0x3FB8] =	sst s0;
	s0 =	simm.s32 @!p2 $0x0  }
0x16: {  	s3 =	sld [smem:$0x3FDB];
	s0 =	simm.s32 @p2 $0x1  }
0x17: {  	s4 =	simm.s32 $0x1BF5;
	[smem:$0x3FBA] =	sst s0  }
0x18: {  	s0 =	sld [smem:$0x3F9D];
	_ =	swait.ge [sflag:s4], $0x0  }
0x19: {  	s7 =	sld [smem:$0x3F9E]  }
0x1a: {  	s8 =	sadd.s32 $0xFFFFE003, lr  }
0x1b: {  	s9 =	sadd.s32 $0xFFFFFEF7, lr;
	s5 =	simm.s32 $0xFFFFFFFF;
	p2 =	slt.u32 s8, $0xFFFFF086  }
0x1c: {  	p1 =	slt.u32 s9, $0xF7A;
	s5 =	simm.s32 @!p2 $0x0  }
0x1d: {  	s5 =	simm.s32 @p1 $0x1;
	p0 =	seq.s32 s7, s2  }
0x1e: {  	s7 =	smul.u32 @!p0 $0xF7A, s2;
	p2 =	seq.s32 @!p0 s5, $0x0  }
0x1f: {  	s9 =	smul.u32 $0xF7A, s1;
	s8 =	simm.s32 @!p0 $0x1BF5;
	p2 =	por !p2, p0  }
0x20: {  	[sflag:s8] =	ssyncset.s32 @!p0 $0xFFFFF086;
	s6 =	sadd.s32 @!p0 s3, s7;
	s7 =	simm.s32 @!p0 $0x108  }
0x21: {  	s3 =	sadd.s32 s3, s9;
	s6 =	sadd.s32 @!p0 $0x88, s6;
	s7 =	simm.s32 @p2 $0x1082  }
0x22: {  	[simem:s7], [sflag:s8] =	dma.local @!p0 [hbm:s6], $0xF7A  }
0x23: {  	s9 =	sor.u32 $0xD0000000, s2;
	s6 =	simm.s32 $0x108;
	_ =	swait.ge @!p0 [sflag:s8], $0x0  }
0x24: {  	s3 =	sadd.s32 $0x88, s3;
	s6 =	simm.s32 @!p1 $0x1082;
	[sflag:s4] =	ssyncset.s32 $0xFFFFF086  }
0x25: {  	[simem:s6], [sflag:s4] =	dma.local [hbm:s3], $0xF7A  }
0x26: {  	[smem:$0x3F9E] =	sst s1;
	(tag) =	ssettag s2;
	_ =	strace s9  }
0x27: {  	s1 =	sld [smem:$0x3FAE]  }
0x28: {  	s2 =	sld [smem:$0x3FAF]  }
0x29: {  	s4 =	sld [smem:$0x3FB1]  }
0x2a: {  	p0 =	seq.s32 s5, $0x0;
	s5 =	sld [smem:$0x3FB2]  }
0x2b: {  	s6 =	sld [smem:$0x3FB3]  }
0x2c: {  	s7 =	sld [smem:$0x3FB4]  }
0x2d: {  	s3 =	simm.s32 $0x108;
	s8 =	sld [smem:$0x3FB5]  }
0x2e: {  	s3 =	simm.s32 @!p0 $0x1082;
	s9 =	sld [smem:$0x3FB6]  }
0x2f: {  	lr =	sadd.s32 s0, s3;
	s0 =	sld [smem:$0x3FAD]  }
0x30: {  	s3 =	sld [smem:$0x3FB0]  }
0x31: {  	[smem:$0x3FB9] =	sst s10  }
0x32: {  	s10 =	sld [smem:$0x3FB7];
	_ =	sdelay $0x3  }
0x33: {  	p0 =	seq.s32 s10, $0x1;
	s10 =	sld [smem:$0x3FB9];
	_ =	sdelay $0x3  }
0x34: {  	[smem:$0x3FB9] =	sst s10  }
0x35: {  	s10 =	sld [smem:$0x3FB8];
	_ =	sdelay $0x3  }
0x36: {  	p1 =	seq.s32 s10, $0x1;
	s10 =	sld [smem:$0x3FB9];
	_ =	sdelay $0x3  }
0x37: {  	[smem:$0x3FB9] =	sst s10  }
0x38: {  	s10 =	sld [smem:$0x3FBA]  }
0x39: {  	_ = 	snop;
	(pc) =	sbr.ind lr, $3  }
0x3a: {  	_ = 	snop  }
0x3b: {  	_ = 	snop  }
0x3c: {  	p2 =	seq.s32 s10, $0x1;
	s10 =	sld [smem:$0x3FB9]  }
0x3d: {  	_ =	shalt  }
0x3e: {  	_ =	shalt  }
0x3f: {  	_ =	shalt  }
0x40: {  	_ =	shalt  }
0x41: {  	_ =	shalt  }
0x42: {  	_ =	shalt  }
0x43: {  	_ =	shalt  }
0x44: {  	_ =	shalt  }
0x45: {  	_ =	shalt  }
0x46: {  	_ =	shalt  }
0x47: {  	_ =	shalt  }
0x48: {  	_ =	shalt  }
0x49: {  	_ =	shalt  }
0x4a: {  	_ =	shalt  }
0x4b: {  	_ =	shalt  }
0x4c: {  	_ =	shalt  }
0x4d: {  	_ =	shalt  }
0x4e: {  	_ =	shalt  }
0x4f: {  	_ =	shalt  }
0x50: {  	_ =	shalt  }
0x51: {  	_ =	shalt  }
0x52: {  	_ =	shalt  }
0x53: {  	_ =	shalt  }
0x54: {  	_ =	shalt  }
0x55: {  	_ =	shalt  }
0x56: {  	_ =	shalt  }
0x57: {  	_ =	shalt  }
0x58: {  	_ =	shalt  }
0x59: {  	_ =	shalt  }
0x5a: {  	_ =	shalt  }
0x5b: {  	_ =	shalt  }
0x5c: {  	_ =	shalt  }
0x5d: {  	_ =	shalt  }
0x5e: {  	_ =	shalt  }
0x5f: {  	_ =	shalt  }
0x60: {  	_ =	shalt  }
0x61: {  	_ =	shalt  }
0x62: {  	_ =	shalt  }
0x63: {  	_ =	shalt  }
0x64: {  	_ =	shalt  }
0x65: {  	_ =	shalt  }
0x66: {  	_ =	shalt  }
0x67: {  	_ =	shalt  }
0x68: {  	_ =	shalt  }
0x69: {  	_ =	shalt  }
0x6a: {  	_ =	shalt  }
0x6b: {  	_ =	shalt  }
0x6c: {  	_ =	shalt  }
0x6d: {  	_ =	shalt  }
0x6e: {  	_ =	shalt  }
0x6f: {  	_ =	shalt  }
0x70: {  	_ =	shalt  }
0x71: {  	_ =	shalt  }
0x72: {  	_ =	shalt  }
0x73: {  	_ =	shalt  }
0x74: {  	_ =	shalt  }
0x75: {  	_ =	shalt  }
0x76: {  	_ =	shalt  }
0x77: {  	_ =	shalt  }
0x78: {  	_ =	shalt  }
0x79: {  	_ =	shalt  }
0x7a: {  	_ =	shalt  }
0x7b: {  	_ =	shalt  }
0x7c: {  	_ =	shalt  }
0x7d: {  	_ =	shalt  }
0x7e: {  	_ =	shalt  }
0x7f: {  	_ =	shalt  }
0x80: {  	_ =	shalt  }
0x81: {  	_ =	shalt  }
0x82: {  	_ =	shalt  }
0x83: {  	_ =	shalt  }
0x84: {  	_ =	shalt  }
0x85: {  	_ =	shalt  }
0x86: {  	_ =	shalt  }
0x87: {  	_ =	shalt  }
.Lfunc_end0:
.L_simem_size_0:
called_computation_lowered:
.L_overlay_start_0:
0x88: {  	s2 =	sld [smem:$0x3FD9]  }
0x89: {  	s3 =	sld [smem:$0x3FFE];
	_ =	sdelay $0x1  }
0x8a: {  	s1 =	srdreg.scid  }
0x8b: {  	s0 =	sand.u32 $0x1, s1  }
0x8c: {  	s18 =	sshll.u32 s0, $0xA;
	s2 =	sadd.s32 s3, s2  }
0x8d: {  	s2 =	sadd.s32 s2, s18  }
0x8e: {  	[smem:$0x3FC5] =	sst s2  }
0x8f: {  	_ = 	snop  }
0x90: {  	s2 =	sld [smem:$0x3FC9]  }
0x91: {  	s19 =	sld [smem:$0x3FC8]  }
0x92: {  	s4 =	sld [smem:$0x3FC7]  }
0x93: {  	s5 =	sld [smem:$0x3FD0];
	(tm) =	ssettm $0x1  }
0x94: {  	s6 =	sld [smem:$0x3FFB];
	_ =	sdelay $0x3  }
0x95: {  	_ =	strace s6  }
0x96: {  	s6 =	sld [smem:$0x3FFC];
	_ =	sdelay $0x3  }
0x97: {  	_ =	strace s6  }
0x98: {  	s6 =	sld [smem:$0x3FFD];
	_ =	sdelay $0x3  }
0x99: {  	_ =	strace s6  }
0x9a: {  	_ =	strace $0x8FFFFFFF  }
0x9b: {  	s20 =	sld [smem:$0x3FDB];
	_ =	sdelay $0x1  }
0x9c: {  	s7 =	simm.s32 $_scs_section_size  }
0x9d: {  	s8 =	simm.s32 $_size__tile_overlayer_lowered;
	s9 =	simm.s32 $_tile_overlayer_lowered  }
0x9e: {  	s23 =	simm.s32 $0x1BFF;
	s22 =	sshll.u32 s9, $0x1;
	s6 =	sadd.s32 s7, s20  }
0x9f: {  	s10 =	simm.s32 $0x0;
	s21 =	sshll.u32 s8, $0x1;
	s8 =	sadd.s32 s22, s6  }
0xa0: {  	[timem:s10], [sflag:s23] =	dma.local [hbm:s8], s21  }
0xa1: {  	_ =	swait.ge [sflag:s23], s21  }
0xa2: {  	s7 =	ssub.s32 $0x0, s21;
	[sflag:s23] =	ssyncset.done $0x0  }
0xa3: {  	[sflag:s23] =	ssyncadd.s32 s7;
	_ =	sdelay $0x1  }
0xa4: {  	s24 =	simm.s32 $0x1B8B  }
0xa5: {  	_ =	swait.ge [sflag:s24], $0x1  }
0xa6: {  	[sflag:s24] =	ssyncset.done $0x0  }
0xa7: {  	s25 =	simm.s32 $0x1B8E;
	[sflag:s24] =	ssyncadd.s32 $0xFFFFFFFF  }
0xa8: {  	s26 =	simm.s32 $execute0_lowered;
	[smem:$0x3FD2] =	sst s25  }
0xa9: {  	s7 =	sshll.u32 s26, $0x1;
	_ =	strace $0x80000046;
	[dreg:$0x1] =	wrdreg $0xFFFFFFFF  }
0xaa: {  	s28 =	simm.s32 $_size_execute0_lowered;
	s6 =	sadd.s32 s6, s7;
	[dreg:$0x0] =	wrdreg $0x0  }
0xab: {  	s7 =	sshll.u32 s28, $0x1;
	[dreg:$0x2] =	wrdreg s6  }
0xac: {  	[dreg:$0x3] =	wrdreg s7  }
0xad: {  	[dreg:$0x4] =	wrdreg $0xC0  }
0xae: {  	_ =	task [dreg:s10], $0x5FFFF  }
0xaf: {  	[dreg:$0x1] =	wrdreg $0xFFFFFFFF  }
0xb0: {  	[dreg:$0x0] =	wrdreg $0x60  }
0xb1: {  	[dreg:$0x2] =	wrdreg s2  }
0xb2: {  	[dreg:$0x3] =	wrdreg s19  }
0xb3: {  	[dreg:$0x4] =	wrdreg s4  }
0xb4: {  	[dreg:$0x5] =	wrdreg s5  }
0xb5: {  	[dreg:$0x6] =	wrdreg $0x9  }
0xb6: {  	_ =	task.clear_ibuf [dreg:s10], $0x7FFFF;
	_ =	strace $0x90000046  }
0xb7: {  	s29 =	simm.s32 $0x9;
	_ =	strace $0x80000048  }
0xb8: {  	_ =	swait.ge [sflag:s29], $0x1  }
0xb9: {  	[sflag:s29] =	ssyncadd.s32 $0xFFFFFFFF  }
0xba: {  	_ =	strace $0x90000048  }
0xbb: {  	_ =	sfence  }
0xbc: {  	s30 =	sld [smem:$0x0];
	_ =	sdelay $0x2  }
0xbd: {  	s31 =	sshll.u32 s1, $0xD;
	s1 =	sshrl.u32 s1, $0x2  }
0xbe: {  	s3 =	sand.u32 $0x4000, s31;
	s1 =	sadd.s32 s1, s30  }
0xbf: {  	s0 =	sor.u32 s3, s0;
	s1 =	sshll.u32 s1, $0x11  }
0xc0: {  	s0 =	sor.u32 s1, s0  }
0xc1: {  	s0 =	sadd.s32 $0x8F2B, s0  }
0xc2: {  	[sflag:s0] =	ssyncadd.remote.s32 $0x1  }
0xc3: {  	_ =	sfence.sel $0xFFFF  }
0xc4: {  	[dreg:$0x0] =	wrdreg $0xFFFFFFFF;
	(pc) =	sbr.abs _section_cstart, $3  }
0xc5: {  	[dreg:$0x1] =	wrdreg $0xFFFFFFFF  }
0xc6: {  	_ =	task.clear_ibuf [dreg:s10], $0x2FFFF;
	_ =	strace $0x9FFFFFFF  }
0xc7: {  	(tm) =	ssettm $0x7FFFFFFF  }
tec
execute0_lowered:
.L_overlay_start_1:
0x0: {  	(tag) =	ssettag $0x1  }
0x1: {  	s0 =	rddreg [dreg:$0x0]  }
0x2: {  	s1 =	rddreg [dreg:$0x1]  }
0x3: {  	s2 =	rddreg [dreg:$0x2]  }
0x4: {  	s3 =	rddreg [dreg:$0x3];
	s4 =	simm.s32 $0x0;
	s5 =	srdreg.scid  }
0x5: {  	s7 =	stileid.u32;
	s9 =	simm.s32 $0x400;
	s10 =	simm.s32 $0x7A1400  }
0x6: {  	s11 =	simm.s32 $0x500;
	s12 =	simm.s32 $0x8500;
	s19 =	simm.s32 $0x4500  }
0x7: {  	s20 =	simm.s32 $0xC500;
	s21 =	simm.s32 $0x5500;
	s22 =	simm.s32 $0xD500  }
0x8: {  	s23 =	simm.s32 $0x6500;
	s28 =	simm.s32 $0x1;
	s29 =	simm.s32 $0x10500  }
0x9: {  	s30 =	simm.s32 $0x14500;
	s31 =	simm.s32 $0x18500;
	s5 =	sand.u32 $0x1, s5  }
0xa: {  	s7 =	sshll.u32 s7, $0xA;
	s6 =	ssub.s32 $0x2, s5;
	s5 =	sshll.u32 s5, $0x9  }
0xb: {  	[smem:$0x7FF] =	sst s4;
	s8 =	sshrl.u32 s6, $0x1;
	s5 =	sor.u32 s5, s7  }
0xc: {  	v1 =	vlaneseq.u32;
	_ =	strace $0x80000047;
	s24 =	ssub.s32 s6, s8;
	s25 =	sshrl.u32 s5, $0x2  }
0xd: {  	v0 =	vmul.u32 $0x80, v1;
	v1 =	vmul.u32 $0x200, v1;
	s26 =	sshrl.u32 s5, $0x3;
	s8 =	simm.s32 $0x2;
	s5 =	sadd.s32 s0, s25  }
0xe: {  	s6 =	sadd.s32 s3, s26;
	s7 =	smax.u32 s24, $0x1;
	s24 =	simm.s32 $0xE500  }
0xf: {  	v2 =	vor.u32 $0x800, v0;
	v3 =	vor.u32 $0x2000, v1;
	s25 =	simm.s32 $0x7500;
	s26 =	simm.s32 $0xF500;
	s0 =	simm.s32 $0x0  }
.LBB2_1:
0x10: {  	[tilespmem:s4], [sflag:$0x2] =	stream.linear.gather [hbm4b:s5+s4], $0x400, $0x38;
	[tilespmem:$0x18700] =	vst v63  }
0x11: {  	_ =	swait.ge [sflag:s8], $0x400  }
0x12: {  	[sflag:s8] =	ssyncset.done $0x0  }
0x13: {  	[sflag:s8] =	ssyncadd.s32 $0xFFFFFC00  }
0x14: {  	v4 =	vld [tilespmem:$0x0];
	_ =	sdelay $0x1  }
0x15: {  	v5 =	vld [tilespmem:$0x80];
	_ =	sdelay $0x2  }
0x16: {  	(v2sf) =	vpush v4, $0x0;
	_ =	sdelay $0x1  }
0x17: {  	(v2sf) =	vpush v5, $0x0;
	_ =	sdelay $0xc  }
0x18: {  	s3 =	spop (v2sf)  }
0x19: {  	s3 =	sand.u32 $0xFFFFF80, s3  }
0x1a: {  	s17 =	spop (v2sf);
	s3 =	sadd.s32 s1, s3  }
0x1b: {  	[tilespmem:s11], [sflag:$0x1] =	stream.strided.gather [hbm4b:s3+s9], $0x1000, s10, s9, $0x38;
	[tilespmem:$0x18700] =	vst v63  }
0x1c: {  	s3 =	sand.u32 $0xFFFFF80, s17  }
0x1d: {  	s3 =	sadd.s32 s2, s3  }
0x1e: {  	[tilespmem:s12], [sflag:$0x1] =	stream.strided.gather [hbm4b:s3+s9], $0x1000, s10, s9, $0x38;
	[tilespmem:$0x18700] =	vst v63  }
0x1f: {  	v4 =	vld [tilespmem:$0x1];
	_ =	sdelay $0x3  }
0x20: {  	v5 =	vld [tilespmem:$0x81]  }
0x21: {  	(v2sf) =	vpush v4, $0x0;
	_ =	sdelay $0x3  }
0x22: {  	(v2sf) =	vpush v5, $0x0;
	_ =	sdelay $0xa  }
0x23: {  	s18 =	spop (v2sf)  }
0x24: {  	s3 =	sand.u32 $0xFFFFF80, s18  }
0x25: {  	s13 =	simm.s32 $0x1500;
	s3 =	sadd.s32 s1, s3  }
0x26: {  	[tilespmem:s13], [sflag:$0x1] =	stream.strided.gather [hbm4b:s3+s9], $0x1000, s10, s9, $0x38;
	[tilespmem:$0x18700] =	vst v63  }
0x27: {  	s13 =	spop (v2sf)  }
0x28: {  	s3 =	sand.u32 $0xFFFFF80, s13  }
0x29: {  	s14 =	simm.s32 $0x9500;
	s3 =	sadd.s32 s2, s3  }
0x2a: {  	[tilespmem:s14], [sflag:$0x1] =	stream.strided.gather [hbm4b:s3+s9], $0x1000, s10, s9, $0x38;
	[tilespmem:$0x18700] =	vst v63  }
0x2b: {  	v4 =	vld [tilespmem:$0x2];
	_ =	sdelay $0x1  }
0x2c: {  	v5 =	vld [tilespmem:$0x82];
	_ =	sdelay $0x2  }
0x2d: {  	(v2sf) =	vpush v4, $0x0;
	_ =	sdelay $0x1  }
0x2e: {  	(v2sf) =	vpush v5, $0x0;
	_ =	sdelay $0xc  }
0x2f: {  	s15 =	spop (v2sf)  }
0x30: {  	s3 =	sand.u32 $0xFFFFF80, s15  }
0x31: {  	s16 =	simm.s32 $0x2500;
	s17 =	spop (v2sf);
	s3 =	sadd.s32 s1, s3  }
0x32: {  	[tilespmem:s16], [sflag:$0x1] =	stream.strided.gather [hbm4b:s3+s9], $0x1000, s10, s9, $0x38;
	[tilespmem:$0x18700] =	vst v63  }
0x33: {  	s3 =	sand.u32 $0xFFFFF80, s17  }
0x34: {  	s18 =	simm.s32 $0xA500;
	s3 =	sadd.s32 s2, s3  }
0x35: {  	[tilespmem:s18], [sflag:$0x1] =	stream.strided.gather [hbm4b:s3+s9], $0x1000, s10, s9, $0x38;
	[tilespmem:$0x18700] =	vst v63  }
0x36: {  	v4 =	vld [tilespmem:$0x3];
	_ =	sdelay $0x1  }
0x37: {  	v5 =	vld [tilespmem:$0x83];
	_ =	sdelay $0x2  }
0x38: {  	(v2sf) =	vpush v4, $0x0;
	_ =	sdelay $0x1  }
0x39: {  	(v2sf) =	vpush v5, $0x0;
	_ =	sdelay $0xc  }
0x3a: {  	s13 =	spop (v2sf)  }
0x3b: {  	s3 =	sand.u32 $0xFFFFF80, s13  }
0x3c: {  	s14 =	simm.s32 $0x3500;
	s15 =	spop (v2sf);
	s3 =	sadd.s32 s1, s3  }
0x3d: {  	[tilespmem:s14], [sflag:$0x1] =	stream.strided.gather [hbm4b:s3+s9], $0x1000, s10, s9, $0x38;
	[tilespmem:$0x18700] =	vst v63  }
0x3e: {  	s3 =	sand.u32 $0xFFFFF80, s15  }
0x3f: {  	s16 =	simm.s32 $0xB500;
	s3 =	sadd.s32 s2, s3  }
0x40: {  	[tilespmem:s16], [sflag:$0x1] =	stream.strided.gather [hbm4b:s3+s9], $0x1000, s10, s9, $0x38;
	[tilespmem:$0x18700] =	vst v63  }
0x41: {  	v4 =	vld [tilespmem:$0x4];
	_ =	sdelay $0x1  }
0x42: {  	v5 =	vld [tilespmem:$0x84];
	_ =	sdelay $0x2  }
0x43: {  	(v2sf) =	vpush v4, $0x0;
	_ =	sdelay $0x1  }
0x44: {  	(v2sf) =	vpush v5, $0x0;
	_ =	sdelay $0xc  }
0x45: {  	s17 =	spop (v2sf)  }
0x46: {  	s3 =	sand.u32 $0xFFFFF80, s17  }
0x47: {  	s18 =	spop (v2sf);
	s3 =	sadd.s32 s1, s3  }
0x48: {  	[tilespmem:s19], [sflag:$0x1] =	stream.strided.gather [hbm4b:s3+s9], $0x1000, s10, s9, $0x38;
	[tilespmem:$0x18700] =	vst v63  }
0x49: {  	s3 =	sand.u32 $0xFFFFF80, s18  }
0x4a: {  	s3 =	sadd.s32 s2, s3  }
0x4b: {  	[tilespmem:s20], [sflag:$0x1] =	stream.strided.gather [hbm4b:s3+s9], $0x1000, s10, s9, $0x38;
	[tilespmem:$0x18700] =	vst v63  }
0x4c: {  	v4 =	vld [tilespmem:$0x5];
	_ =	sdelay $0x1  }
0x4d: {  	v5 =	vld [tilespmem:$0x85];
	_ =	sdelay $0x2  }
0x4e: {  	(v2sf) =	vpush v4, $0x0;
	_ =	sdelay $0x1  }
0x4f: {  	(v2sf) =	vpush v5, $0x0;
	_ =	sdelay $0xc  }
0x50: {  	s13 =	spop (v2sf)  }
0x51: {  	s3 =	sand.u32 $0xFFFFF80, s13  }
0x52: {  	s14 =	spop (v2sf);
	s3 =	sadd.s32 s1, s3  }
0x53: {  	[tilespmem:s21], [sflag:$0x1] =	stream.strided.gather [hbm4b:s3+s9], $0x1000, s10, s9, $0x38;
	[tilespmem:$0x18700] =	vst v63  }
0x54: {  	s3 =	sand.u32 $0xFFFFF80, s14  }
0x55: {  	s3 =	sadd.s32 s2, s3  }
0x56: {  	[tilespmem:s22], [sflag:$0x1] =	stream.strided.gather [hbm4b:s3+s9], $0x1000, s10, s9, $0x38;
	[tilespmem:$0x18700] =	vst v63  }
0x57: {  	v4 =	vld [tilespmem:$0x6];
	_ =	sdelay $0x1  }
0x58: {  	v5 =	vld [tilespmem:$0x86];
	_ =	sdelay $0x2  }
0x59: {  	(v2sf) =	vpush v4, $0x0;
	_ =	sdelay $0x1  }
0x5a: {  	(v2sf) =	vpush v5, $0x0;
	_ =	sdelay $0xc  }
0x5b: {  	s15 =	spop (v2sf)  }
0x5c: {  	s3 =	sand.u32 $0xFFFFF80, s15  }
0x5d: {  	s16 =	spop (v2sf);
	s3 =	sadd.s32 s1, s3  }
0x5e: {  	[tilespmem:s23], [sflag:$0x1] =	stream.strided.gather [hbm4b:s3+s9], $0x1000, s10, s9, $0x38;
	[tilespmem:$0x18700] =	vst v63  }
0x5f: {  	s3 =	sand.u32 $0xFFFFF80, s16  }
0x60: {  	s3 =	sadd.s32 s2, s3  }
0x61: {  	[tilespmem:s24], [sflag:$0x1] =	stream.strided.gather [hbm4b:s3+s9], $0x1000, s10, s9, $0x38;
	[tilespmem:$0x18700] =	vst v63  }
0x62: {  	v4 =	vld [tilespmem:$0x7];
	_ =	sdelay $0x1  }
0x63: {  	v5 =	vld [tilespmem:$0x87];
	_ =	sdelay $0x2  }
0x64: {  	(v2sf) =	vpush v4, $0x0;
	_ =	sdelay $0x1  }
0x65: {  	(v2sf) =	vpush v5, $0x0;
	_ =	sdelay $0xc  }
0x66: {  	s17 =	spop (v2sf)  }
0x67: {  	s3 =	sand.u32 $0xFFFFF80, s17  }
0x68: {  	s18 =	spop (v2sf);
	s3 =	sadd.s32 s1, s3  }
0x69: {  	[tilespmem:s25], [sflag:$0x1] =	stream.strided.gather [hbm4b:s3+s9], $0x1000, s10, s9, $0x38;
	[tilespmem:$0x18700] =	vst v63  }
0x6a: {  	s3 =	sand.u32 $0xFFFFF80, s18  }
0x6b: {  	s3 =	sadd.s32 s2, s3  }
0x6c: {  	[tilespmem:s26], [sflag:$0x1] =	stream.strided.gather [hbm4b:s3+s9], $0x1000, s10, s9, $0x38;
	[tilespmem:$0x18700] =	vst v63  }
0x6d: {  	s13 =	simm.s32 $0x10;
	s14 =	simm.s32 $0x0;
	s3 =	simm.s32 $0x8  }
.LBB2_2:
0x6e: {  	_ =	swait.ge [sflag:s28], $0x1000  }
0x6f: {  	[sflag:s28] =	ssyncset.done $0x0  }
0x70: {  	[sflag:s28] =	ssyncadd.s32 $0xFFFFF000  }
0x71: {  	s15 =	sadd.s32 $0xFFFFFFF8, s3;
	s16 =	sadd.s32 $0xFFFFFFF0, s13;
	_ =	swait.ge [sflag:s28], $0x1000  }
0x72: {  	s17 =	sand.u32 $0x7F, s15;
	s16 =	sand.u32 $0x300, s16;
	[sflag:s28] =	ssyncset.done $0x0  }
0x73: {  	s16 =	sor.u32 s17, s16;
	[sflag:s28] =	ssyncadd.s32 $0xFFFFF000  }
0x74: {  	v4 =	vld [tilespmem:s16+$0x0];
	_ =	sdelay $0x1  }
0x75: {  	v5 =	vld [tilespmem:s16+$0x80];
	_ =	sdelay $0x2  }
0x76: {  	(v2sf) =	vpush v4, $0x0;
	_ =	sdelay $0x1  }
0x77: {  	(v2sf) =	vpush v5, $0x0;
	_ =	sdelay $0xb  }
0x78: {  	s17 =	sand.u32 $0x7, s15  }
0x79: {  	s16 =	sshll.u32 s17, $0xC;
	s18 =	spop (v2sf)  }
0x7a: {  	v4 =	vor.u32 s16, v0;
	s17 =	sand.u32 $0x7F, s18  }
0x7b: {  	v6 =	vor.u32 s16, v2;
	s18 =	spop (v2sf);
	v5 =	vor.u32 s17, v4  }
0x7c: {  	s18 =	sand.u32 $0x7F, s18;
	v7 =	vor.u32 s17, v6  }
0x7d: {  	v4 =	vor.u32 s18, v4  }
0x7e: {  	v6 =	vor.u32 s18, v6;
	_ =	sdelay $0x1  }
0x7f: {  	v8 =	vor.u32 s15, v1;
	v5 =	vld.idx.msk [tilespmem:v5+s11+$0x0], $0xffff  }
0x80: {  	v9 =	vor.u32 s15, v3;
	v7 =	vld.idx.msk [tilespmem:v7+s11+$0x0], $0xffff  }
0x81: {  	v4 =	vld.idx.msk [tilespmem:v4+s12+$0x0], $0xffff  }
0x82: {  	v6 =	vld.idx.msk [tilespmem:v6+s12+$0x0], $0xffff;
	_ =	sdelay $0x1  }
0x83: {  	[tilespmem:v8+s29+$0x0] =	vst.idx.msk $0xffff, v5  }
0x84: {  	[tilespmem:v9+s29+$0x0] =	vst.idx.msk $0xffff, v7  }
0x85: {  	s17 =	sand.u32 $0x700, s13;
	s18 =	sand.u32 $0x7F, s3;
	[tilespmem:v8+s30+$0x0] =	vst.idx.msk $0xffff, v4  }
0x86: {  	s15 =	sor.u32 s18, s17;
	[tilespmem:v9+s30+$0x0] =	vst.idx.msk $0xffff, v6  }
0x87: {  	v4 =	vld [tilespmem:s15+$0x0];
	_ =	sdelay $0x4  }
0x88: {  	v5 =	vld [tilespmem:s15+$0x80];
	(v2sf) =	vpush v4, $0x0;
	_ =	sdelay $0x4  }
0x89: {  	(v2sf) =	vpush v5, $0x0;
	_ =	sdelay $0x9  }
0x8a: {  	s17 =	spop (v2sf)  }
0x8b: {  	s16 =	sand.u32 $0x7000, s14;
	s15 =	sand.u32 $0xFFFFF80, s17  }
0x8c: {  	p0 =	sne.s32 s3, $0x1FF;
	s18 =	sor.u32 $0x500, s16;
	s15 =	sadd.s32 s1, s15  }
0x8d: {  	[tilespmem:s18], [sflag:$0x1] =	stream.strided.gather [hbm4b:s15+s9], $0x1000, s10, s9, $0x38;
	[tilespmem:$0x18700] =	vst v63  }
.Ltmp0:
0x8e: {  	_ = 	snop;
	(pc) =	sbr.rel @p0 .LBB2_2-.Ltmp0, $4  }
0x8f: {  	s18 =	spop (v2sf)  }
0x90: {  	s14 =	sadd.s32 $0x1000, s14;
	s13 =	sadd.s32 $0x2, s13;
	s15 =	sand.u32 $0xFFFFF80, s18  }
0x91: {  	s3 =	sadd.s32 $0x1, s3;
	s16 =	sor.u32 $0x8500, s16;
	s15 =	sadd.s32 s2, s15  }
0x92: {  	[tilespmem:s16], [sflag:$0x1] =	stream.strided.gather [hbm4b:s15+s9], $0x1000, s10, s9, $0x38;
	[tilespmem:$0x18700] =	vst v63  }
0x93: {  	s3 =	simm.s32 $0x1F8  }
0x94: {  	s13 =	simm.s32 $0x3F0;
	s14 =	simm.s32 $0xF8;
	s15 =	simm.s32 $0x78  }
.LBB2_4:
0x95: {  	_ =	swait.ge [sflag:s28], $0x1000  }
0x96: {  	[sflag:s28] =	ssyncset.done $0x0  }
0x97: {  	[sflag:s28] =	ssyncadd.s32 $0xFFFFF000  }
0x98: {  	_ =	swait.ge [sflag:s28], $0x1000  }
0x99: {  	s16 =	sand.u32 $0x3FFFFF00, s13;
	[sflag:s28] =	ssyncset.done $0x0  }
0x9a: {  	s17 =	sadd.s32 s16, s15;
	[sflag:s28] =	ssyncadd.s32 $0xFFFFF000  }
0x9b: {  	v4 =	vld [tilespmem:s17+$0x0]  }
0x9c: {  	s16 =	sadd.s32 s16, s14  }
0x9d: {  	v5 =	vld [tilespmem:s16+$0x0];
	_ =	sdelay $0x2  }
0x9e: {  	(v2sf) =	vpush v4, $0x0;
	_ =	sdelay $0x1  }
0x9f: {  	(v2sf) =	vpush v5, $0x0;
	_ =	sdelay $0xb  }
0xa0: {  	s17 =	sshll.u32 s3, $0xC  }
0xa1: {  	s16 =	sadd.s32 $0xFFE08000, s17;
	s18 =	spop (v2sf)  }
0xa2: {  	v4 =	vor.u32 s16, v0;
	s17 =	sand.u32 $0x7F, s18  }
0xa3: {  	v6 =	vor.u32 s16, v2;
	s18 =	spop (v2sf);
	v5 =	vor.u32 s17, v4  }
0xa4: {  	s18 =	sand.u32 $0x7F, s18;
	v7 =	vor.u32 s17, v6  }
0xa5: {  	v4 =	vor.u32 s18, v4  }
0xa6: {  	v6 =	vor.u32 s18, v6;
	_ =	sdelay $0x1  }
0xa7: {  	v8 =	vor.u32 s3, v1;
	v5 =	vld.idx.msk [tilespmem:v5+s11+$0x0], $0xffff  }
0xa8: {  	v9 =	vor.u32 s3, v3;
	v7 =	vld.idx.msk [tilespmem:v7+s11+$0x0], $0xffff  }
0xa9: {  	v4 =	vld.idx.msk [tilespmem:v4+s12+$0x0], $0xffff  }
0xaa: {  	p0 =	sne.s32 s13, $0x3FE;
	v6 =	vld.idx.msk [tilespmem:v6+s12+$0x0], $0xffff  }
.Ltmp1:
0xab: {  	_ = 	snop;
	(pc) =	sbr.rel @p0 .LBB2_4-.Ltmp1, $4  }
0xac: {  	[tilespmem:v8+s29+$0x0] =	vst.idx.msk $0xffff, v5  }
0xad: {  	[tilespmem:v9+s29+$0x0] =	vst.idx.msk $0xffff, v7  }
0xae: {  	s13 =	sadd.s32 $0x2, s13;
	[tilespmem:v8+s30+$0x0] =	vst.idx.msk $0xffff, v4  }
0xaf: {  	s14 =	sadd.s32 $0x1, s14;
	s15 =	sadd.s32 $0x1, s15;
	s3 =	sadd.s32 $0x1, s3;
	[tilespmem:v9+s30+$0x0] =	vst.idx.msk $0xffff, v6  }
0xb0: {  	s3 =	simm.s32 $0x0  }
0xb1: {  	v4 =	vld [tilespmem:s3+$0x10500]  }
0xb2: {  	v5 =	vld [tilespmem:s3+$0x14500]  }
0xb3: {  	v6 =	vld [tilespmem:s3+$0x10700]  }
0xb4: {  	v7 =	vld [tilespmem:s3+$0x14700]  }
0xb5: {  	v8 =	vld [tilespmem:s3+$0x10900]  }
0xb6: {  	v9 =	vld [tilespmem:s3+$0x14900]  }
0xb7: {  	v10 =	vld [tilespmem:s3+$0x14B00];
	v4 =	vmul.f32 v5, v4  }
0xb8: {  	v5 =	vld [tilespmem:s3+$0x10B00]  }
0xb9: {  	v11 =	vld [tilespmem:s3+$0x14D00];
	v6 =	vmul.f32 v7, v6;
	v4 =	vadd.f32 $0.0e+00, v4  }
0xba: {  	v7 =	vld [tilespmem:s3+$0x10D00]  }
0xbb: {  	v4 =	vadd.f32 v6, v4;
	v6 =	vmul.f32 v9, v8;
	v8 =	vld [tilespmem:s3+$0x10F00]  }
0xbc: {  	v9 =	vld [tilespmem:s3+$0x14F00]  }
0xbd: {  	v5 =	vmul.f32 v10, v5;
	v10 =	vld [tilespmem:s3+$0x15100];
	v4 =	vadd.f32 v6, v4  }
0xbe: {  	v6 =	vld [tilespmem:s3+$0x11100]  }
0xbf: {  	v4 =	vadd.f32 v5, v4;
	v5 =	vmul.f32 v11, v7;
	v7 =	vld [tilespmem:s3+$0x11300]  }
0xc0: {  	v11 =	vld [tilespmem:s3+$0x15300]  }
0xc1: {  	v4 =	vadd.f32 v5, v4;
	v5 =	vmul.f32 v9, v8;
	v8 =	vld [tilespmem:s3+$0x11500]  }
0xc2: {  	v9 =	vld [tilespmem:s3+$0x15500]  }
0xc3: {  	v4 =	vadd.f32 v5, v4;
	v5 =	vmul.f32 v10, v6;
	v6 =	vld [tilespmem:s3+$0x11700]  }
0xc4: {  	v10 =	vld [tilespmem:s3+$0x15700]  }
0xc5: {  	v4 =	vadd.f32 v5, v4;
	v5 =	vmul.f32 v11, v7;
	v7 =	vld [tilespmem:s3+$0x11900]  }
0xc6: {  	v11 =	vld [tilespmem:s3+$0x15900]  }
0xc7: {  	v4 =	vadd.f32 v5, v4;
	v5 =	vmul.f32 v9, v8;
	v8 =	vld [tilespmem:s3+$0x11B00]  }
0xc8: {  	v9 =	vld [tilespmem:s3+$0x15B00]  }
0xc9: {  	v4 =	vadd.f32 v5, v4;
	v5 =	vmul.f32 v10, v6;
	v6 =	vld [tilespmem:s3+$0x11D00]  }
0xca: {  	v10 =	vld [tilespmem:s3+$0x15D00]  }
0xcb: {  	v4 =	vadd.f32 v5, v4;
	v5 =	vmul.f32 v11, v7;
	v7 =	vld [tilespmem:s3+$0x11F00]  }
0xcc: {  	v11 =	vld [tilespmem:s3+$0x15F00]  }
0xcd: {  	v4 =	vadd.f32 v5, v4;
	v5 =	vmul.f32 v9, v8;
	v8 =	vld [tilespmem:s3+$0x12100]  }
0xce: {  	v9 =	vld [tilespmem:s3+$0x16100]  }
0xcf: {  	v4 =	vadd.f32 v5, v4;
	v5 =	vmul.f32 v10, v6;
	v6 =	vld [tilespmem:s3+$0x12300]  }
0xd0: {  	v10 =	vld [tilespmem:s3+$0x16300]  }
0xd1: {  	v4 =	vadd.f32 v5, v4;
	v5 =	vmul.f32 v11, v7;
	v7 =	vld [tilespmem:s3+$0x12500]  }
0xd2: {  	v11 =	vld [tilespmem:s3+$0x16500]  }
0xd3: {  	v4 =	vadd.f32 v5, v4;
	v5 =	vmul.f32 v9, v8;
	v8 =	vld [tilespmem:s3+$0x12700]  }
0xd4: {  	v9 =	vld [tilespmem:s3+$0x16700]  }
0xd5: {  	v4 =	vadd.f32 v5, v4;
	v5 =	vmul.f32 v10, v6;
	v6 =	vld [tilespmem:s3+$0x12900]  }
0xd6: {  	v10 =	vld [tilespmem:s3+$0x16900]  }
0xd7: {  	v4 =	vadd.f32 v5, v4;
	v5 =	vmul.f32 v11, v7;
	v7 =	vld [tilespmem:s3+$0x12B00]  }
0xd8: {  	v11 =	vld [tilespmem:s3+$0x16B00]  }
0xd9: {  	v4 =	vadd.f32 v5, v4;
	v5 =	vmul.f32 v9, v8;
	v8 =	vld [tilespmem:s3+$0x12D00]  }
0xda: {  	v9 =	vld [tilespmem:s3+$0x16D00]  }
0xdb: {  	v4 =	vadd.f32 v5, v4;
	v5 =	vmul.f32 v10, v6;
	v6 =	vld [tilespmem:s3+$0x12F00]  }
0xdc: {  	v10 =	vld [tilespmem:s3+$0x16F00]  }
0xdd: {  	v4 =	vadd.f32 v5, v4;
	v5 =	vmul.f32 v11, v7;
	v7 =	vld [tilespmem:s3+$0x13100]  }
0xde: {  	v11 =	vld [tilespmem:s3+$0x17100]  }
0xdf: {  	v4 =	vadd.f32 v5, v4;
	v5 =	vmul.f32 v9, v8;
	v8 =	vld [tilespmem:s3+$0x13300]  }
0xe0: {  	v9 =	vld [tilespmem:s3+$0x17300]  }
0xe1: {  	v4 =	vadd.f32 v5, v4;
	v5 =	vmul.f32 v10, v6;
	v6 =	vld [tilespmem:s3+$0x13500]  }
0xe2: {  	v10 =	vld [tilespmem:s3+$0x17500]  }
0xe3: {  	v4 =	vadd.f32 v5, v4;
	v5 =	vmul.f32 v11, v7;
	v7 =	vld [tilespmem:s3+$0x13700]  }
0xe4: {  	v11 =	vld [tilespmem:s3+$0x17700]  }
0xe5: {  	v4 =	vadd.f32 v5, v4;
	v5 =	vmul.f32 v9, v8;
	v8 =	vld [tilespmem:s3+$0x13900]  }
0xe6: {  	v9 =	vld [tilespmem:s3+$0x17900]  }
0xe7: {  	v4 =	vadd.f32 v5, v4;
	v5 =	vmul.f32 v10, v6;
	v6 =	vld [tilespmem:s3+$0x13B00]  }
0xe8: {  	v10 =	vld [tilespmem:s3+$0x17B00]  }
0xe9: {  	v12 =	vld [tilespmem:s3+$0x17D00];
	v4 =	vadd.f32 v5, v4;
	v5 =	vmul.f32 v11, v7  }
0xea: {  	v11 =	vld [tilespmem:s3+$0x13D00]  }
0xeb: {  	v13 =	vld [tilespmem:s3+$0x13F00];
	v4 =	vadd.f32 v5, v4;
	v5 =	vmul.f32 v9, v8  }
0xec: {  	v14 =	vld [tilespmem:s3+$0x17F00]  }
0xed: {  	v7 =	vld [tilespmem:s3+$0x18100];
	v6 =	vmul.f32 v10, v6;
	v5 =	vadd.f32 v5, v4  }
0xee: {  	v4 =	vld [tilespmem:s3+$0x14100]  }
0xef: {  	v8 =	vld [tilespmem:s3+$0x18300];
	v10 =	vmul.f32 v12, v11;
	v9 =	vadd.f32 v6, v5  }
0xf0: {  	s14 =	simm.s32 $0x10;
	v5 =	vld [tilespmem:s3+$0x14300]  }
0xf1: {  	s13 =	simm.s32 $0x80;
	v6 =	vld [tilespmem:s14+$0x10500];
	v9 =	vadd.f32 v10, v9;
	v10 =	vmul.f32 v14, v13  }
.LBB2_6:
0xf2: {  	p0 =	sne.s32 s13, $0x7C0;
	v11 =	vld [tilespmem:s14+$0x14500]  }
0xf3: {  	v12 =	vld [tilespmem:s14+$0x10700];
	v9 =	vadd.f32 v10, v9;
	v4 =	vmul.f32 v7, v4  }
0xf4: {  	v7 =	vld [tilespmem:s14+$0x14700]  }
0xf5: {  	v10 =	vld [tilespmem:s14+$0x10900];
	v4 =	vadd.f32 v4, v9;
	v5 =	vmul.f32 v8, v5  }
0xf6: {  	v8 =	vld [tilespmem:s14+$0x14900]  }
0xf7: {  	v6 =	vmul.f32 v11, v6;
	v9 =	vld [tilespmem:s14+$0x10B00];
	v4 =	vadd.f32 v5, v4  }
0xf8: {  	v5 =	vld [tilespmem:s14+$0x14B00]  }
0xf9: {  	v6 =	vadd.f32 $0.0e+00, v6;
	v7 =	vmul.f32 v7, v12;
	v11 =	vld [tilespmem:s14+$0x10D00];
	[tilespmem:s3+$0x18500] =	vst v4;
	s3 =	smov.u32 s14  }
0xfa: {  	v4 =	vld [tilespmem:s3+$0x14D00]  }
0xfb: {  	v6 =	vadd.f32 v7, v6;
	v7 =	vmul.f32 v8, v10;
	v8 =	vld [tilespmem:s3+$0x10F00]  }
0xfc: {  	v10 =	vld [tilespmem:s3+$0x14F00]  }
0xfd: {  	v6 =	vadd.f32 v7, v6;
	v5 =	vmul.f32 v5, v9;
	v7 =	vld [tilespmem:s3+$0x11100]  }
0xfe: {  	v9 =	vld [tilespmem:s3+$0x15100]  }
0xff: {  	v5 =	vadd.f32 v5, v6;
	v4 =	vmul.f32 v4, v11;
	v6 =	vld [tilespmem:s3+$0x11300]  }
0x100: {  	v11 =	vld [tilespmem:s3+$0x15300]  }
0x101: {  	v4 =	vadd.f32 v4, v5;
	v5 =	vmul.f32 v10, v8;
	v8 =	vld [tilespmem:s3+$0x11500]  }
0x102: {  	v10 =	vld [tilespmem:s3+$0x15500]  }
0x103: {  	v4 =	vadd.f32 v5, v4;
	v5 =	vmul.f32 v9, v7;
	v7 =	vld [tilespmem:s3+$0x11700]  }
0x104: {  	v9 =	vld [tilespmem:s3+$0x15700]  }
0x105: {  	v4 =	vadd.f32 v5, v4;
	v5 =	vmul.f32 v11, v6;
	v6 =	vld [tilespmem:s3+$0x11900]  }
0x106: {  	v11 =	vld [tilespmem:s3+$0x15900]  }
0x107: {  	v4 =	vadd.f32 v5, v4;
	v5 =	vmul.f32 v10, v8;
	v8 =	vld [tilespmem:s3+$0x11B00]  }
0x108: {  	v10 =	vld [tilespmem:s3+$0x15B00]  }
0x109: {  	v4 =	vadd.f32 v5, v4;
	v5 =	vmul.f32 v9, v7;
	v7 =	vld [tilespmem:s3+$0x11D00]  }
0x10a: {  	v9 =	vld [tilespmem:s3+$0x15D00]  }
0x10b: {  	v4 =	vadd.f32 v5, v4;
	v5 =	vmul.f32 v11, v6;
	v6 =	vld [tilespmem:s3+$0x11F00]  }
0x10c: {  	v11 =	vld [tilespmem:s3+$0x15F00]  }
0x10d: {  	v4 =	vadd.f32 v5, v4;
	v5 =	vmul.f32 v10, v8;
	v8 =	vld [tilespmem:s3+$0x12100]  }
0x10e: {  	v10 =	vld [tilespmem:s3+$0x16100]  }
0x10f: {  	v4 =	vadd.f32 v5, v4;
	v5 =	vmul.f32 v9, v7;
	v7 =	vld [tilespmem:s3+$0x12300]  }
0x110: {  	v9 =	vld [tilespmem:s3+$0x16300]  }
0x111: {  	v4 =	vadd.f32 v5, v4;
	v5 =	vmul.f32 v11, v6;
	v6 =	vld [tilespmem:s3+$0x12500]  }
0x112: {  	v11 =	vld [tilespmem:s3+$0x16500]  }
0x113: {  	v4 =	vadd.f32 v5, v4;
	v5 =	vmul.f32 v10, v8;
	v8 =	vld [tilespmem:s3+$0x12700]  }
0x114: {  	v10 =	vld [tilespmem:s3+$0x16700]  }
0x115: {  	v4 =	vadd.f32 v5, v4;
	v5 =	vmul.f32 v9, v7;
	v7 =	vld [tilespmem:s3+$0x12900]  }
0x116: {  	v9 =	vld [tilespmem:s3+$0x16900]  }
0x117: {  	v4 =	vadd.f32 v5, v4;
	v5 =	vmul.f32 v11, v6;
	v6 =	vld [tilespmem:s3+$0x12B00]  }
0x118: {  	v11 =	vld [tilespmem:s3+$0x16B00]  }
0x119: {  	v4 =	vadd.f32 v5, v4;
	v5 =	vmul.f32 v10, v8;
	v8 =	vld [tilespmem:s3+$0x12D00]  }
0x11a: {  	v10 =	vld [tilespmem:s3+$0x16D00]  }
0x11b: {  	v4 =	vadd.f32 v5, v4;
	v5 =	vmul.f32 v9, v7;
	v7 =	vld [tilespmem:s3+$0x12F00]  }
0x11c: {  	v9 =	vld [tilespmem:s3+$0x16F00]  }
0x11d: {  	v4 =	vadd.f32 v5, v4;
	v5 =	vmul.f32 v11, v6;
	v6 =	vld [tilespmem:s3+$0x13100]  }
0x11e: {  	v11 =	vld [tilespmem:s3+$0x17100]  }
0x11f: {  	v4 =	vadd.f32 v5, v4;
	v5 =	vmul.f32 v10, v8;
	v8 =	vld [tilespmem:s3+$0x13300]  }
0x120: {  	v10 =	vld [tilespmem:s3+$0x17300]  }
0x121: {  	v4 =	vadd.f32 v5, v4;
	v5 =	vmul.f32 v9, v7;
	v7 =	vld [tilespmem:s3+$0x13500]  }
0x122: {  	v9 =	vld [tilespmem:s3+$0x17500]  }
0x123: {  	v4 =	vadd.f32 v5, v4;
	v5 =	vmul.f32 v11, v6;
	v6 =	vld [tilespmem:s3+$0x13700]  }
0x124: {  	v11 =	vld [tilespmem:s3+$0x17700]  }
0x125: {  	v4 =	vadd.f32 v5, v4;
	v5 =	vmul.f32 v10, v8;
	v8 =	vld [tilespmem:s3+$0x13900]  }
0x126: {  	v10 =	vld [tilespmem:s3+$0x17900]  }
0x127: {  	v4 =	vadd.f32 v5, v4;
	v5 =	vmul.f32 v9, v7;
	v7 =	vld [tilespmem:s3+$0x13B00]  }
0x128: {  	v9 =	vld [tilespmem:s3+$0x17B00]  }
0x129: {  	v4 =	vadd.f32 v5, v4;
	v5 =	vmul.f32 v11, v6;
	v6 =	vld [tilespmem:s3+$0x13D00]  }
0x12a: {  	v11 =	vld [tilespmem:s3+$0x17D00]  }
0x12b: {  	v4 =	vadd.f32 v5, v4;
	v5 =	vmul.f32 v10, v8;
	v10 =	vld [tilespmem:s3+$0x13F00]  }
0x12c: {  	v12 =	vld [tilespmem:s3+$0x17F00]  }
.Ltmp2:
0x12d: {  	v5 =	vadd.f32 v5, v4;
	v8 =	vmul.f32 v9, v7;
	v4 =	vld [tilespmem:s3+$0x14100];
	(pc) =	sbr.rel @p0 .LBB2_6-.Ltmp2, $4  }
0x12e: {  	v7 =	vld [tilespmem:s3+$0x18100]  }
0x12f: {  	v9 =	vadd.f32 v8, v5;
	v11 =	vmul.f32 v11, v6;
	v5 =	vld [tilespmem:s3+$0x14300]  }
0x130: {  	s14 =	sshra.s32 s13, $0x2;
	v8 =	vld [tilespmem:s3+$0x18300]  }
0x131: {  	s13 =	sadd.s32 $0x40, s13;
	v6 =	vld [tilespmem:s14+$0x10500];
	v9 =	vadd.f32 v11, v9;
	v10 =	vmul.f32 v12, v10  }
0x132: {  	v11 =	vld [tilespmem:s14+$0x14500]  }
0x133: {  	v12 =	vld [tilespmem:s14+$0x10700];
	v9 =	vadd.f32 v10, v9;
	v4 =	vmul.f32 v7, v4  }
0x134: {  	v56 =	vld [tilespmem:s14+$0x14700]  }
0x135: {  	v57 =	vld [tilespmem:s14+$0x10900];
	v4 =	vadd.f32 v4, v9;
	v5 =	vmul.f32 v8, v5  }
0x136: {  	v58 =	vld [tilespmem:s14+$0x14900]  }
0x137: {  	v59 =	vld [tilespmem:s14+$0x10B00];
	v6 =	vmul.f32 v11, v6;
	v4 =	vadd.f32 v5, v4  }
0x138: {  	v5 =	vld [tilespmem:s14+$0x14B00]  }
0x139: {  	v60 =	vld [tilespmem:s14+$0x10D00];
	v7 =	vmul.f32 v56, v12;
	v6 =	vadd.f32 $0.0e+00, v6;
	[tilespmem:s3+$0x18500] =	vst v4  }
0x13a: {  	v4 =	vld [tilespmem:s14+$0x14D00]  }
0x13b: {  	v61 =	vmul.f32 v58, v57;
	v62 =	vld [tilespmem:s14+$0x10F00];
	v6 =	vadd.f32 v7, v6  }
0x13c: {  	v63 =	vld [tilespmem:s14+$0x14F00]  }
0x13d: {  	v12 =	vld [tilespmem:s14+$0x11100];
	v5 =	vmul.f32 v5, v59;
	v6 =	vadd.f32 v61, v6  }
0x13e: {  	v13 =	vld [tilespmem:s14+$0x15100]  }
0x13f: {  	v14 =	vld [tilespmem:s14+$0x11300];
	v5 =	vadd.f32 v5, v6;
	v4 =	vmul.f32 v4, v60  }
0x140: {  	v15 =	vld [tilespmem:s14+$0x15300]  }
0x141: {  	v16 =	vld [tilespmem:s14+$0x11500];
	v4 =	vadd.f32 v4, v5;
	v5 =	vmul.f32 v63, v62  }
0x142: {  	v17 =	vld [tilespmem:s14+$0x15500]  }
0x143: {  	v18 =	vld [tilespmem:s14+$0x11700];
	v4 =	vadd.f32 v5, v4;
	v5 =	vmul.f32 v13, v12  }
0x144: {  	v19 =	vld [tilespmem:s14+$0x15700]  }
0x145: {  	v20 =	vld [tilespmem:s14+$0x11900];
	v4 =	vadd.f32 v5, v4;
	v5 =	vmul.f32 v15, v14  }
0x146: {  	v21 =	vld [tilespmem:s14+$0x15900]  }
0x147: {  	v22 =	vld [tilespmem:s14+$0x11B00];
	v4 =	vadd.f32 v5, v4;
	v5 =	vmul.f32 v17, v16  }
0x148: {  	v23 =	vld [tilespmem:s14+$0x15B00]  }
0x149: {  	v24 =	vld [tilespmem:s14+$0x11D00];
	v4 =	vadd.f32 v5, v4;
	v5 =	vmul.f32 v19, v18  }
0x14a: {  	v25 =	vld [tilespmem:s14+$0x15D00]  }
0x14b: {  	v26 =	vld [tilespmem:s14+$0x11F00];
	v4 =	vadd.f32 v5, v4;
	v5 =	vmul.f32 v21, v20  }
0x14c: {  	v27 =	vld [tilespmem:s14+$0x15F00]  }
0x14d: {  	v28 =	vld [tilespmem:s14+$0x12100];
	v4 =	vadd.f32 v5, v4;
	v5 =	vmul.f32 v23, v22  }
0x14e: {  	v29 =	vld [tilespmem:s14+$0x16100]  }
0x14f: {  	v30 =	vld [tilespmem:s14+$0x12300];
	v4 =	vadd.f32 v5, v4;
	v5 =	vmul.f32 v25, v24  }
0x150: {  	v31 =	vld [tilespmem:s14+$0x16300]  }
0x151: {  	v32 =	vld [tilespmem:s14+$0x12500];
	v4 =	vadd.f32 v5, v4;
	v5 =	vmul.f32 v27, v26  }
0x152: {  	v33 =	vld [tilespmem:s14+$0x16500]  }
0x153: {  	v34 =	vld [tilespmem:s14+$0x12700];
	v4 =	vadd.f32 v5, v4;
	v5 =	vmul.f32 v29, v28  }
0x154: {  	v35 =	vld [tilespmem:s14+$0x16700]  }
0x155: {  	v36 =	vld [tilespmem:s14+$0x12900];
	v4 =	vadd.f32 v5, v4;
	v5 =	vmul.f32 v31, v30  }
0x156: {  	v37 =	vld [tilespmem:s14+$0x16900]  }
0x157: {  	v38 =	vld [tilespmem:s14+$0x12B00];
	v4 =	vadd.f32 v5, v4;
	v5 =	vmul.f32 v33, v32  }
0x158: {  	v39 =	vld [tilespmem:s14+$0x16B00]  }
0x159: {  	v40 =	vld [tilespmem:s14+$0x12D00];
	v4 =	vadd.f32 v5, v4;
	v5 =	vmul.f32 v35, v34  }
0x15a: {  	v41 =	vld [tilespmem:s14+$0x16D00]  }
0x15b: {  	v42 =	vld [tilespmem:s14+$0x12F00];
	v4 =	vadd.f32 v5, v4;
	v5 =	vmul.f32 v37, v36  }
0x15c: {  	v43 =	vld [tilespmem:s14+$0x16F00]  }
0x15d: {  	v44 =	vld [tilespmem:s14+$0x13100];
	v4 =	vadd.f32 v5, v4;
	v5 =	vmul.f32 v39, v38  }
0x15e: {  	v45 =	vld [tilespmem:s14+$0x17100]  }
0x15f: {  	v46 =	vld [tilespmem:s14+$0x13300];
	v4 =	vadd.f32 v5, v4;
	v5 =	vmul.f32 v41, v40  }
0x160: {  	v47 =	vld [tilespmem:s14+$0x17300]  }
0x161: {  	v48 =	vld [tilespmem:s14+$0x13500];
	v4 =	vadd.f32 v5, v4;
	v5 =	vmul.f32 v43, v42  }
0x162: {  	v49 =	vld [tilespmem:s14+$0x17500]  }
0x163: {  	v50 =	vld [tilespmem:s14+$0x13700];
	v4 =	vadd.f32 v5, v4;
	v5 =	vmul.f32 v45, v44  }
0x164: {  	v51 =	vld [tilespmem:s14+$0x17700]  }
0x165: {  	v52 =	vld [tilespmem:s14+$0x13900];
	v4 =	vadd.f32 v5, v4;
	v5 =	vmul.f32 v47, v46  }
0x166: {  	v53 =	vld [tilespmem:s14+$0x17900]  }
0x167: {  	v54 =	vld [tilespmem:s14+$0x13B00];
	v4 =	vadd.f32 v5, v4;
	v5 =	vmul.f32 v49, v48  }
0x168: {  	v55 =	vld [tilespmem:s14+$0x17B00]  }
0x169: {  	v56 =	vld [tilespmem:s14+$0x13D00];
	v4 =	vadd.f32 v5, v4;
	v5 =	vmul.f32 v51, v50  }
0x16a: {  	v57 =	vld [tilespmem:s14+$0x17D00]  }
0x16b: {  	v58 =	vld [tilespmem:s14+$0x13F00];
	v4 =	vadd.f32 v5, v4;
	v5 =	vmul.f32 v53, v52  }
0x16c: {  	v59 =	vld [tilespmem:s14+$0x17F00]  }
0x16d: {  	v61 =	vld [tilespmem:s14+$0x18100];
	v4 =	vadd.f32 v5, v4;
	v5 =	vmul.f32 v55, v54  }
0x16e: {  	v60 =	vld [tilespmem:s14+$0x14100]  }
0x16f: {  	v62 =	vld [tilespmem:s14+$0x14300];
	v4 =	vadd.f32 v5, v4;
	v5 =	vmul.f32 v57, v56  }
0x170: {  	v63 =	vld [tilespmem:s14+$0x18300]  }
0x171: {  	v4 =	vadd.f32 v5, v4;
	v5 =	vmul.f32 v59, v58;
	_ =	sdelay $0x1  }
0x172: {  	v4 =	vadd.f32 v5, v4;
	v5 =	vmul.f32 v61, v60;
	_ =	sdelay $0x1  }
0x173: {  	v4 =	vadd.f32 v5, v4;
	v5 =	vmul.f32 v63, v62;
	_ =	sdelay $0x1  }
0x174: {  	s0 =	sadd.s32 $0x1, s0;
	v4 =	vadd.f32 v5, v4  }
0x175: {  	p0 =	sne.s32 s0, s7  }
.Ltmp3:
0x176: {  	[tilespmem:s14+$0x18500] =	vst v4;
	(pc) =	sbr.rel @p0 .LBB2_1-.Ltmp3, $4  }
0x177: {  	[hbm4b:s6+s4] =	stream.linear.scatter [tilespmem:s31], [sflag:$0x2], $0x200, $0x38;
	[tilespmem:$0x18700] =	vst v63  }
0x178: {  	_ =	swait.ge [sflag:s8], $0x200  }
0x179: {  	[sflag:s8] =	ssyncset.done $0x0  }
0x17a: {  	[sflag:s8] =	ssyncadd.s32 $0xFFFFFE00  }
0x17b: {  	_ =	sfence.sel $0x180000  }
0x17c: {  	[bflag:$0x0] =	sbarrier.arrive $0xFFFF  }
0x17d: {  	_ =	strace $0x90000047  }
0x17e: {  	s0 =	stileid.u32;
	[bflag:$0x2] =	sbarrier.arrive $0xFFFF  }
0x17f: {  	p0 =	sne.s32 s0, $0x0;
	s0 =	rddreg [dreg:$0x4]  }
0x180: {  	s0 =	sadd.s32 @!p0 $0x100000, s0  }
0x181: {  	[sflag:s0] =	ssyncadd.tile.s32 @!p0 $0x1;
	_ =	shalt  }
.Lfunc_end2:
_tile_overlayer_lowered:
.L_overlay_start_2:
0x182: {  	(tag) =	ssettag $0x2  }
0x183: {  	s0 =	rddreg [dreg:$0x0];
	s2 =	stileid.u32  }
0x184: {  	s1 =	rddreg [dreg:$0x1];
	p0 =	sne.s32 s2, $0x0  }
0x185: {  	s3 =	rddreg [dreg:$0x2];
	[bflag:$0x3] =	sbarrier.arrive $0xFFFF;
	s2 =	simm.s32 @!p0 $0x1C02  }
0x186: {  	[timem:s3], [sflag:s2] =	dma.local @!p0 [hbm:s0], s1  }
0x187: {  	s0 =	simm.s32 @!p0 $0x2  }
0x188: {  	_ =	swait.ge @!p0 [sflag:s0], s1  }
0x189: {  	s1 =	ssub.s32 @!p0 $0x0, s1;
	[sflag:s0] =	ssyncset.done @!p0 $0x0  }
0x18a: {  	[sflag:s0] =	ssyncadd.s32 @!p0 s1  }
0x18b: {  	[bflag:$0x3] =	sbarrier.arrive $0xFFFF  }
0x18c: {  	_ =	shalt  }

</sc_bundles>
